<compile_context>
chip_gen: v7x
topology: tpu7x:2x2x1
jax: 0.10.2.dev20260603
libtpu: 0.0.44.dev20260713+nightly
codegen_flags: <defaults>
</compile_context>

<pallas_src>
import dataclasses
import functools

import jax
import jax.numpy as jnp
from jax import lax
from jax.experimental import pallas as pl
from jax.experimental.pallas import tpu as pltpu
from jax.experimental.pallas import tpu_sc as plsc

N = 10000
E = 320000
D = 128
BN_SCALE = float(1.0 / (1.0 + 1e-5) ** 0.5)

NC = 2
NS = 16
NW = NC * NS
CHUNK = 128
NCHUNK = 79
EPAD = NW * NCHUNK * CHUNK
EPW = EPAD // NW
NPAD = 10240
ROWS_PER_TILE = NPAD // NS
ZROWS = 64
CNT_W = 16

BLK = 2048



def _mm2_body(x_ref, wl_ref, wr_ref, b_ref, y_ref, z_ref):
    x = x_ref[...]
    dn = (((1,), (1,)), ((), ()))
    y_ref[...] = lax.dot_general(x, wl_ref[...], dn,
                                 preferred_element_type=jnp.float32)
    z_ref[...] = lax.dot_general(x, wr_ref[...], dn,
                                 preferred_element_type=jnp.float32) + b_ref[...]


def _mm2(x, wl, wr, b):
    return pl.pallas_call(
        _mm2_body,
        grid=(pl.cdiv(N, BLK),),
        in_specs=[
            pl.BlockSpec((BLK, D), lambda i: (i, 0)),
            pl.BlockSpec((D, D), lambda i: (0, 0)),
            pl.BlockSpec((D, D), lambda i: (0, 0)),
            pl.BlockSpec((1, D), lambda i: (0, 0)),
        ],
        out_specs=[
            pl.BlockSpec((BLK, D), lambda i: (i, 0)),
            pl.BlockSpec((BLK, D), lambda i: (i, 0)),
        ],
        out_shape=[jax.ShapeDtypeStruct((N, D), jnp.float32)] * 2,
    )(x, wl, wr, b)


def _epilogue1_body(sp_ref, cp_ref, z1_ref, g_ref, be_ref, wl_ref, wr_ref,
                    b2_ref, y2_ref, z2_ref):
    s = sp_ref[0] + sp_ref[1]
    dncnt = (((0,), (0,)), ((), ()))
    cnt = lax.dot_general(cp_ref[...], jnp.ones((NW, 1), jnp.float32), dncnt,
                          preferred_element_type=jnp.float32)
    mean = s / jnp.clip(cnt, 1.0, None)
    h = mean + z1_ref[...]
    h = (h * BN_SCALE) * g_ref[...] + be_ref[...]
    h = jnp.maximum(h, 0.0)
    dn = (((1,), (1,)), ((), ()))
    y2_ref[...] = lax.dot_general(h, wl_ref[...], dn,
                                  preferred_element_type=jnp.float32)
    z2_ref[...] = lax.dot_general(h, wr_ref[...], dn,
                                  preferred_element_type=jnp.float32) + b2_ref[...]


def _epilogue1(s_parts, cnt_parts, z1, gamma, beta, w2l, w2r, b2):
    return pl.pallas_call(
        _epilogue1_body,
        grid=(pl.cdiv(N, BLK),),
        in_specs=[
            pl.BlockSpec((NC, BLK, D), lambda i: (0, i, 0)),
            pl.BlockSpec((NW, BLK), lambda i: (0, i)),
            pl.BlockSpec((BLK, D), lambda i: (i, 0)),
            pl.BlockSpec((1, D), lambda i: (0, 0)),
            pl.BlockSpec((1, D), lambda i: (0, 0)),
            pl.BlockSpec((D, D), lambda i: (0, 0)),
            pl.BlockSpec((D, D), lambda i: (0, 0)),
            pl.BlockSpec((1, D), lambda i: (0, 0)),
        ],
        out_specs=[
            pl.BlockSpec((BLK, D), lambda i: (i, 0)),
            pl.BlockSpec((BLK, D), lambda i: (i, 0)),
        ],
        out_shape=[jax.ShapeDtypeStruct((N, D), jnp.float32)] * 2,
    )(s_parts, cnt_parts, z1, gamma, beta, w2l, w2r, b2)


def _epilogue2_body(sp_ref, cp_ref, z2_ref, o_ref):
    s = sp_ref[0] + sp_ref[1]
    dncnt = (((0,), (0,)), ((), ()))
    cnt = lax.dot_general(cp_ref[...], jnp.ones((NW, 1), jnp.float32), dncnt,
                          preferred_element_type=jnp.float32)
    o_ref[...] = s / jnp.clip(cnt, 1.0, None) + z2_ref[...]


def _epilogue2(s_parts, cnt_parts, z2):
    return pl.pallas_call(
        _epilogue2_body,
        grid=(pl.cdiv(N, BLK),),
        in_specs=[
            pl.BlockSpec((NC, BLK, D), lambda i: (0, i, 0)),
            pl.BlockSpec((NW, BLK), lambda i: (0, i)),
            pl.BlockSpec((BLK, D), lambda i: (i, 0)),
        ],
        out_specs=pl.BlockSpec((BLK, D), lambda i: (i, 0)),
        out_shape=jax.ShapeDtypeStruct((N, D), jnp.float32),
    )(s_parts, cnt_parts, z2)



def _zero_vmem(buf, rows, width):
    zv = jnp.zeros((16,), jnp.float32)

    @pl.loop(0, rows)
    def _(i):
        @pl.loop(0, width // 16)
        def _(j):
            buf[i, pl.ds(j * 16, 16)] = zv


def _make_segsum():
    mesh = plsc.VectorSubcoreMesh(core_axis_name="c", subcore_axis_name="s")
    scratch = [
        pltpu.VMEM((NCHUNK, CHUNK), jnp.int32),
        pltpu.VMEM((NCHUNK, CHUNK), jnp.int32),
        pltpu.VMEM((CHUNK, D), jnp.float32),
        pltpu.VMEM((ZROWS, D), jnp.float32),
        pltpu.VMEM_SHARED((NPAD, D), jnp.float32),
    ]

    def body(y_hbm, src_hbm, dst_hbm, out_hbm, src_v, dst_v, rows_v, zb_v, acc):
        c = lax.axis_index("c")
        s = lax.axis_index("s")
        wid = c * NS + s
        r0 = s * ROWS_PER_TILE

        _zero_vmem(zb_v, ZROWS, D)

        @pl.loop(0, ROWS_PER_TILE // ZROWS)
        def _(i):
            pltpu.sync_copy(zb_v, acc.at[pl.ds(r0 + i * ZROWS, ZROWS)])

        pltpu.sync_copy(src_hbm.at[wid], src_v)
        pltpu.sync_copy(dst_hbm.at[wid], dst_v)

        plsc.subcore_barrier()

        @pl.loop(0, NCHUNK)
        def _(k):
            pltpu.sync_copy(y_hbm.at[src_v.at[k]], rows_v)
            pltpu.sync_copy(rows_v, acc.at[dst_v.at[k]], add=True)

        plsc.subcore_barrier()

        pltpu.sync_copy(acc.at[pl.ds(r0, ROWS_PER_TILE)],
                        out_hbm.at[c, pl.ds(r0, ROWS_PER_TILE)])

    return pl.kernel(body,
                     out_type=jax.ShapeDtypeStruct((NC, NPAD, D), jnp.float32),
                     mesh=mesh, scratch_types=scratch)


def _make_counts():
    mesh = plsc.VectorSubcoreMesh(core_axis_name="c", subcore_axis_name="s")
    scratch = [
        pltpu.VMEM((NCHUNK, CHUNK), jnp.int32),
        pltpu.VMEM((NPAD,), jnp.float32),
    ]

    def body(dst_hbm, cnt_hbm, dst_v, hist):
        c = lax.axis_index("c")
        s = lax.axis_index("s")
        wid = c * NS + s

        zv = jnp.zeros((16,), jnp.float32)

        @pl.loop(0, NPAD // 16)
        def _(i):
            hist[pl.ds(i * 16, 16)] = zv

        pltpu.sync_copy(dst_hbm.at[wid], dst_v)

        ov = jnp.ones((16,), jnp.float32)

        @pl.loop(0, NCHUNK)
        def _(k):
            @pl.loop(0, CHUNK // 16)
            def _(j):
                iv = dst_v[k, pl.ds(j * 16, 16)]
                plsc.addupdate_scatter(hist, [iv], ov)

        pltpu.sync_copy(hist, cnt_hbm.at[wid])

    cp = pltpu.CompilerParams()
    if "needs_layout_passes" in pltpu.CompilerParams.__dataclass_fields__:
        cp = dataclasses.replace(cp, needs_layout_passes=False)
    return pl.kernel(body,
                     out_type=jax.ShapeDtypeStruct((NW, NPAD), jnp.float32),
                     mesh=mesh, scratch_types=scratch, compiler_params=cp)


_segsum = _make_segsum()
_counts = _make_counts()



@jax.jit
def kernel(x, edge_index, W1_l, b1_l, W1_r, gamma1, beta1, W2_l, b2_l, W2_r):
    npad_e = EPAD - E
    src = jnp.concatenate(
        [edge_index[0].astype(jnp.int32), jnp.zeros((npad_e,), jnp.int32)]
    ).reshape(NW, NCHUNK, CHUNK)
    dst = jnp.concatenate(
        [edge_index[1].astype(jnp.int32),
         jnp.full((npad_e,), N, jnp.int32)]
    ).reshape(NW, NCHUNK, CHUNK)
    b1 = b1_l.reshape(1, D)
    b2 = b2_l.reshape(1, D)
    g1 = gamma1.reshape(1, D)
    be1 = beta1.reshape(1, D)

    cntp = _counts(dst)
    y1, z1 = _mm2(x, W1_l, W1_r, b1)
    s1p = _segsum(y1, src, dst)
    y2, z2 = _epilogue1(s1p, cntp, z1, g1, be1, W2_l, W2_r, b2)
    s2p = _segsum(y2, src, dst)
    return _epilogue2(s2p, cntp, z2)

# --- scband reference (transcript-rebuilt; emitter-appended) ---
"""Pipeline reference for scband-graph-sage-16415365005404 (READ-ONLY COPY).

The authoritative reference and input builder live on the scoring server;
editing this copy changes nothing except your own understanding.
"""

import jax, jax.numpy as jnp
import numpy as np

N_NODES = 10000
N_EDGES = 320000
D = 128
BN_EPS = 1e-5


def setup_inputs(seed: int = 0) -> dict:
    key = jax.random.key(seed)
    ks = jax.random.split(key, 12)
    x = jax.random.normal(ks[0], (N_NODES, D), dtype=jnp.float32)
    edge_index = jax.random.randint(ks[1], (2, N_EDGES), 0, N_NODES, dtype=jnp.int64)
    s = 1.0 / np.sqrt(D)
    W1_l = jax.random.uniform(ks[2], (D, D), jnp.float32, -s, s)
    b1_l = jax.random.uniform(ks[3], (D,), jnp.float32, -s, s)
    W1_r = jax.random.uniform(ks[4], (D, D), jnp.float32, -s, s)
    gamma1 = jnp.ones((D,), jnp.float32)
    beta1 = jnp.zeros((D,), jnp.float32)
    W2_l = jax.random.uniform(ks[5], (D, D), jnp.float32, -s, s)
    b2_l = jax.random.uniform(ks[6], (D,), jnp.float32, -s, s)
    W2_r = jax.random.uniform(ks[7], (D, D), jnp.float32, -s, s)
    return {"x": x, "edge_index": edge_index, "W1_l": W1_l, "b1_l": b1_l,
            "W1_r": W1_r, "gamma1": gamma1, "beta1": beta1,
            "W2_l": W2_l, "b2_l": b2_l, "W2_r": W2_r}


def _sage_conv(x, edge_index, W_l, b_l, W_r):
    # PyG SAGEConv with mean aggregation:
    # out = lin_l(mean_{j in N(i)} x_j) + lin_r(x_i)
    src = edge_index[0]
    dst = edge_index[1]
    msgs = jnp.take(x, src, axis=0)                    # gather [E, D]
    summed = jax.ops.segment_sum(msgs, dst, num_segments=N_NODES)
    cnt = jax.ops.segment_sum(jnp.ones((msgs.shape[0],), jnp.float32), dst,
                              num_segments=N_NODES)
    mean = summed / jnp.clip(cnt, 1.0, None)[:, None]
    return mean @ W_l.T + b_l + x @ W_r.T


def _batchnorm_eval(x, gamma, beta):
    # eval-mode BatchNorm1d with running_mean=0, running_var=1
    return (x / jnp.sqrt(1.0 + BN_EPS)) * gamma + beta


def reference(x, edge_index, W1_l, b1_l, W1_r, gamma1, beta1, W2_l, b2_l, W2_r):
    h = _sage_conv(x, edge_index, W1_l, b1_l, W1_r)
    h = _batchnorm_eval(h, gamma1, beta1)
    h = jax.nn.relu(h)
    # dropout is identity in eval mode
    out = _sage_conv(h, edge_index, W2_l, b2_l, W2_r)
    return out

if __name__ == "__main__":
    import jax
    _d = setup_inputs()
    print(jax.jit(kernel)(*tuple(_d.values())))

</pallas_src>

<mosaic_0001>
#map = affine_map<(d0, d1) -> (0, 0, 0)>
#map1 = affine_map<(d0, d1) -> (0, 0)>
module attributes {stable_mosaic.version = 14 : i64} {
  func.func @body(%arg0: i32, %arg1: i32, %arg2: memref<32x79x128xi32, #tpu.memory_space<hbm>>, %arg3: memref<32x10240xf32, #tpu.memory_space<hbm>>, %arg4: memref<79x128xi32, #tpu.memory_space<vmem>>, %arg5: memref<10240xf32, #tpu.memory_space<vmem>>) attributes {dimension_semantics = [#tpu.dimension_semantics<core_parallel>, #tpu.dimension_semantics<subcore_parallel>], iteration_bounds = array<i64: 2, 16>, scalar_prefetch = 0 : i64, scratch_operands = 2 : i64, tpu.core_type = #tpu.core_type<sc_vector_subcore>, window_params = [{transform_indices = #map}, {transform_indices = #map1}]} {
    %mul3A = arith.constant 16 : i32
    %mul3A_0 = arith.muli %arg0, %mul3A : i32
    %add3A = arith.addi %mul3A_0, %arg1 : i32
    %broadcast_in_dim3A = arith.constant 0.000000e+00 : f32
    %broadcast_in_dim3A_1 = vector.broadcast %broadcast_in_dim3A : f32 to vector<16xf32>
    %scan3A = arith.constant 0 : i32
    %scan3A_2 = arith.constant 640 : i32
    %scan3A_3 = arith.addi %scan3A, %scan3A_2 : i32
    %scan3A_4 = arith.constant 1 : i32
    scf.for %scan3A_13 = %scan3A to %scan3A_3 step %scan3A_4  : i32 {
      %mul3A_14 = arith.constant 1 : i32
      %mul3A_15 = arith.muli %scan3A_13, %mul3A_14 : i32
      %add3A_16 = arith.constant 0 : i32
      %add3A_17 = arith.addi %add3A_16, %mul3A_15 : i32
      %mul3A_18 = arith.constant 16 : i32
      %mul3A_19 = arith.muli %add3A_17, %mul3A_18 : i32
      %swap3A = arith.index_cast %mul3A_19 : i32 to index
      %swap3A_20 = tpu.vector_load %arg5[%swap3A] {strides = array<i32>} : memref<10240xf32, #tpu.memory_space<vmem>>, vector<16xf32>,
      tpu.vector_store %arg5[%swap3A], %broadcast_in_dim3A_1 {strides = array<i32>} : memref<10240xf32, #tpu.memory_space<vmem>>, vector<16xf32>,
    }
    %scan3A_5 = arith.constant 640 : i32
    "tpu.region"() ({
      %run_scoped3A = tpu.sem_alloc : memref<!tpu.dma_semaphore, #tpu.memory_space<semaphore_mem>>
      %dma_start3A = arith.constant 0 : i32
      %dma_start3A_13 = arith.constant 0 : i32
      %dma_start3A_14 = tpu.memref_slice %arg2[%add3A, %dma_start3A, %dma_start3A_13] : memref<32x79x128xi32, #tpu.memory_space<hbm>> -> memref<1x79x128xi32, #tpu.memory_space<hbm>>
      %dma_start3A_15 = tpu.memref_squeeze %dma_start3A_14 : memref<1x79x128xi32, #tpu.memory_space<hbm>> -> memref<79x128xi32, #tpu.memory_space<hbm>>
      %dma_start3A_16 = arith.constant 0 : i32
      %dma_start3A_17 = arith.constant 0 : i32
      %dma_start3A_18 = tpu.memref_slice %arg2[%add3A, %dma_start3A_16, %dma_start3A_17] : memref<32x79x128xi32, #tpu.memory_space<hbm>> -> memref<1x79x128xi32, #tpu.memory_space<hbm>>
      %dma_start3A_19 = tpu.memref_squeeze %dma_start3A_18 : memref<1x79x128xi32, #tpu.memory_space<hbm>> -> memref<79x128xi32, #tpu.memory_space<hbm>>
      tpu.enqueue_dma source(%dma_start3A_19 : memref<79x128xi32, #tpu.memory_space<hbm>>) target(%arg4 : memref<79x128xi32, #tpu.memory_space<vmem>>) target_semaphore(%run_scoped3A : memref<!tpu.dma_semaphore, #tpu.memory_space<semaphore_mem>>)
      %dma_wait3A = arith.constant 0 : i32
      %dma_wait3A_20 = arith.constant 0 : i32
      %dma_wait3A_21 = tpu.memref_slice %arg2[%add3A, %dma_wait3A, %dma_wait3A_20] : memref<32x79x128xi32, #tpu.memory_space<hbm>> -> memref<1x79x128xi32, #tpu.memory_space<hbm>>
      %dma_wait3A_22 = tpu.memref_squeeze %dma_wait3A_21 : memref<1x79x128xi32, #tpu.memory_space<hbm>> -> memref<79x128xi32, #tpu.memory_space<hbm>>
      %dma_wait3A_23 = arith.constant 0 : i32
      %dma_wait3A_24 = arith.constant 0 : i32
      %dma_wait3A_25 = tpu.memref_slice %arg2[%add3A, %dma_wait3A_23, %dma_wait3A_24] : memref<32x79x128xi32, #tpu.memory_space<hbm>> -> memref<1x79x128xi32, #tpu.memory_space<hbm>>
      %dma_wait3A_26 = tpu.memref_squeeze %dma_wait3A_25 : memref<1x79x128xi32, #tpu.memory_space<hbm>> -> memref<79x128xi32, #tpu.memory_space<hbm>>
      tpu.wait_dma2 semaphore(%run_scoped3A : memref<!tpu.dma_semaphore, #tpu.memory_space<semaphore_mem>>) src(%dma_wait3A_26 : memref<79x128xi32, #tpu.memory_space<hbm>>) dst(%arg4 : memref<79x128xi32, #tpu.memory_space<vmem>>)
      tpu.yield
    }) : () -> ()
    %broadcast_in_dim3A_6 = arith.constant 1.000000e+00 : f32
    %broadcast_in_dim3A_7 = vector.broadcast %broadcast_in_dim3A_6 : f32 to vector<16xf32>
    %scan3A_8 = arith.constant 0 : i32
    %scan3A_9 = arith.constant 79 : i32
    %scan3A_10 = arith.addi %scan3A_8, %scan3A_9 : i32
    %scan3A_11 = arith.constant 1 : i32
    scf.for %scan3A_13 = %scan3A_8 to %scan3A_10 step %scan3A_11  : i32 {
      %mul3A_14 = arith.constant 1 : i32
      %mul3A_15 = arith.muli %scan3A_13, %mul3A_14 : i32
      %add3A_16 = arith.constant 0 : i32
      %add3A_17 = arith.addi %add3A_16, %mul3A_15 : i32
      %scan3A_18 = arith.constant 0 : i32
      %scan3A_19 = arith.constant 8 : i32
      %scan3A_20 = arith.addi %scan3A_18, %scan3A_19 : i32
      %scan3A_21 = arith.constant 1 : i32
      scf.for %scan3A_23 = %scan3A_18 to %scan3A_20 step %scan3A_21  : i32 {
        %mul3A_24 = arith.constant 1 : i32
        %mul3A_25 = arith.muli %scan3A_23, %mul3A_24 : i32
        %add3A_26 = arith.constant 0 : i32
        %add3A_27 = arith.addi %add3A_26, %mul3A_25 : i32
        %mul3A_28 = arith.constant 16 : i32
        %mul3A_29 = arith.muli %add3A_27, %mul3A_28 : i32
        %get3A = arith.index_cast %add3A_17 : i32 to index
        %get3A_30 = arith.index_cast %mul3A_29 : i32 to index
        %get3A_31 = tpu.vector_load %arg4[%get3A, %get3A_30] {strides = array<i32>} : memref<79x128xi32, #tpu.memory_space<vmem>>, vector<16xi32>,
        tpu.vector_store_idx %arg5[%get3A_31], %broadcast_in_dim3A_7 {add = true} : memref<10240xf32, #tpu.memory_space<vmem>>[vector<16xi32>], vector<16xf32>,
      }
      %scan3A_22 = arith.constant 8 : i32
    }
    %scan3A_12 = arith.constant 79 : i32
    "tpu.region"() ({
      %run_scoped3A = tpu.sem_alloc : memref<!tpu.dma_semaphore, #tpu.memory_space<semaphore_mem>>
      %dma_start3A = arith.constant 0 : i32
      %dma_start3A_13 = tpu.memref_slice %arg3[%add3A, %dma_start3A] : memref<32x10240xf32, #tpu.memory_space<hbm>> -> memref<1x10240xf32, #tpu.memory_space<hbm>>
      %dma_start3A_14 = tpu.memref_squeeze %dma_start3A_13 : memref<1x10240xf32, #tpu.memory_space<hbm>> -> memref<10240xf32, #tpu.memory_space<hbm>>
      %dma_start3A_15 = arith.constant 0 : i32
      %dma_start3A_16 = tpu.memref_slice %arg3[%add3A, %dma_start3A_15] : memref<32x10240xf32, #tpu.memory_space<hbm>> -> memref<1x10240xf32, #tpu.memory_space<hbm>>
      %dma_start3A_17 = tpu.memref_squeeze %dma_start3A_16 : memref<1x10240xf32, #tpu.memory_space<hbm>> -> memref<10240xf32, #tpu.memory_space<hbm>>
      tpu.enqueue_dma source(%arg5 : memref<10240xf32, #tpu.memory_space<vmem>>) target(%dma_start3A_17 : memref<10240xf32, #tpu.memory_space<hbm>>) target_semaphore(%run_scoped3A : memref<!tpu.dma_semaphore, #tpu.memory_space<semaphore_mem>>)
      %dma_wait3A = arith.constant 0 : i32
      %dma_wait3A_18 = tpu.memref_slice %arg3[%add3A, %dma_wait3A] : memref<32x10240xf32, #tpu.memory_space<hbm>> -> memref<1x10240xf32, #tpu.memory_space<hbm>>
      %dma_wait3A_19 = tpu.memref_squeeze %dma_wait3A_18 : memref<1x10240xf32, #tpu.memory_space<hbm>> -> memref<10240xf32, #tpu.memory_space<hbm>>
      %dma_wait3A_20 = arith.constant 0 : i32
      %dma_wait3A_21 = tpu.memref_slice %arg3[%add3A, %dma_wait3A_20] : memref<32x10240xf32, #tpu.memory_space<hbm>> -> memref<1x10240xf32, #tpu.memory_space<hbm>>
      %dma_wait3A_22 = tpu.memref_squeeze %dma_wait3A_21 : memref<1x10240xf32, #tpu.memory_space<hbm>> -> memref<10240xf32, #tpu.memory_space<hbm>>
      tpu.wait_dma2 semaphore(%run_scoped3A : memref<!tpu.dma_semaphore, #tpu.memory_space<semaphore_mem>>) src(%arg5 : memref<10240xf32, #tpu.memory_space<vmem>>) dst(%dma_wait3A_22 : memref<10240xf32, #tpu.memory_space<hbm>>)
      tpu.yield
    }) : () -> ()
    return
  }
}

#map = affine_map<(d0, d1) -> (0, 0)>
#map1 = affine_map<(d0, d1) -> (0, 0, 0)>
module attributes {stable_mosaic.version = 14 : i64} {
  func.func @body(%arg0: i32, %arg1: i32, %arg2: memref<10000x128xf32, #tpu.memory_space<hbm>>, %arg3: memref<32x79x128xi32, #tpu.memory_space<hbm>>, %arg4: memref<32x79x128xi32, #tpu.memory_space<hbm>>, %arg5: memref<2x10240x128xf32, #tpu.memory_space<hbm>>, %arg6: memref<79x128xi32, #tpu.memory_space<vmem>>, %arg7: memref<79x128xi32, #tpu.memory_space<vmem>>, %arg8: memref<128x128xf32, #tpu.memory_space<vmem>>, %arg9: memref<64x128xf32, #tpu.memory_space<vmem>>, %arg10: memref<10240x128xf32, #tpu.memory_space<vmem_shared>>) attributes {dimension_semantics = [#tpu.dimension_semantics<core_parallel>, #tpu.dimension_semantics<subcore_parallel>], iteration_bounds = array<i64: 2, 16>, scalar_prefetch = 0 : i64, scratch_operands = 5 : i64, tpu.core_type = #tpu.core_type<sc_vector_subcore>, window_params = [{transform_indices = #map}, {transform_indices = #map1}, {transform_indices = #map1}, {transform_indices = #map1}]} {
    %mul3A = arith.constant 16 : i32
    %mul3A_0 = arith.muli %arg0, %mul3A : i32
    %add3A = arith.addi %mul3A_0, %arg1 : i32
    %mul3A_1 = arith.constant 640 : i32
    %mul3A_2 = arith.muli %arg1, %mul3A_1 : i32
    %broadcast_in_dim3A = arith.constant 0.000000e+00 : f32
    %broadcast_in_dim3A_3 = vector.broadcast %broadcast_in_dim3A : f32 to vector<16xf32>
    %scan3A = arith.constant 0 : i32
    %scan3A_4 = arith.constant 64 : i32
    %scan3A_5 = arith.addi %scan3A, %scan3A_4 : i32
    %scan3A_6 = arith.constant 1 : i32
    scf.for %scan3A_19 = %scan3A to %scan3A_5 step %scan3A_6  : i32 {
      %mul3A_20 = arith.constant 1 : i32
      %mul3A_21 = arith.muli %scan3A_19, %mul3A_20 : i32
      %add3A_22 = arith.constant 0 : i32
      %add3A_23 = arith.addi %add3A_22, %mul3A_21 : i32
      %scan3A_24 = arith.constant 0 : i32
      %scan3A_25 = arith.constant 8 : i32
      %scan3A_26 = arith.addi %scan3A_24, %scan3A_25 : i32
      %scan3A_27 = arith.constant 1 : i32
      scf.for %scan3A_29 = %scan3A_24 to %scan3A_26 step %scan3A_27  : i32 {
        %mul3A_30 = arith.constant 1 : i32
        %mul3A_31 = arith.muli %scan3A_29, %mul3A_30 : i32
        %add3A_32 = arith.constant 0 : i32
        %add3A_33 = arith.addi %add3A_32, %mul3A_31 : i32
        %mul3A_34 = arith.constant 16 : i32
        %mul3A_35 = arith.muli %add3A_33, %mul3A_34 : i32
        %swap3A = arith.index_cast %add3A_23 : i32 to index
        %swap3A_36 = arith.index_cast %mul3A_35 : i32 to index
        %swap3A_37 = tpu.vector_load %arg9[%swap3A, %swap3A_36] {strides = array<i32>} : memref<64x128xf32, #tpu.memory_space<vmem>>, vector<1x16xf32>,
        %swap3A_38 = vector.shape_cast %swap3A_37 : vector<1x16xf32> to vector<16xf32>
        %swap3A_39 = vector.shape_cast %broadcast_in_dim3A_3 : vector<16xf32> to vector<1x16xf32>
        tpu.vector_store %arg9[%swap3A, %swap3A_36], %swap3A_39 {strides = array<i32>} : memref<64x128xf32, #tpu.memory_space<vmem>>, vector<1x16xf32>,
      }
      %scan3A_28 = arith.constant 8 : i32
    }
    %scan3A_7 = arith.constant 64 : i32
    %scan3A_8 = arith.constant 0 : i32
    %scan3A_9 = arith.constant 10 : i32
    %scan3A_10 = arith.addi %scan3A_8, %scan3A_9 : i32
    %scan3A_11 = arith.constant 1 : i32
    scf.for %scan3A_19 = %scan3A_8 to %scan3A_10 step %scan3A_11  : i32 {
      %mul3A_20 = arith.constant 1 : i32
      %mul3A_21 = arith.muli %scan3A_19, %mul3A_20 : i32
      %add3A_22 = arith.constant 0 : i32
      %add3A_23 = arith.addi %add3A_22, %mul3A_21 : i32
      %mul3A_24 = arith.constant 64 : i32
      %mul3A_25 = arith.muli %add3A_23, %mul3A_24 : i32
      %add3A_26 = arith.addi %mul3A_2, %mul3A_25 : i32
      "tpu.region"() ({
        %run_scoped3A = tpu.sem_alloc : memref<!tpu.dma_semaphore, #tpu.memory_space<semaphore_mem>>
        %dma_start3A = arith.constant 0 : i32
        %dma_start3A_27 = tpu.memref_slice %arg10[%add3A_26, %dma_start3A] : memref<10240x128xf32, #tpu.memory_space<vmem_shared>> -> memref<64x128xf32, #tpu.memory_space<vmem_shared>>
        %dma_start3A_28 = arith.constant 0 : i32
        %dma_start3A_29 = tpu.memref_slice %arg10[%add3A_26, %dma_start3A_28] : memref<10240x128xf32, #tpu.memory_space<vmem_shared>> -> memref<64x128xf32, #tpu.memory_space<vmem_shared>>
        tpu.enqueue_dma source(%arg9 : memref<64x128xf32, #tpu.memory_space<vmem>>) target(%dma_start3A_29 : memref<64x128xf32, #tpu.memory_space<vmem_shared>>) target_semaphore(%run_scoped3A : memref<!tpu.dma_semaphore, #tpu.memory_space<semaphore_mem>>)
        %dma_wait3A = arith.constant 0 : i32
        %dma_wait3A_30 = tpu.memref_slice %arg10[%add3A_26, %dma_wait3A] : memref<10240x128xf32, #tpu.memory_space<vmem_shared>> -> memref<64x128xf32, #tpu.memory_space<vmem_shared>>
        %dma_wait3A_31 = arith.constant 0 : i32
        %dma_wait3A_32 = tpu.memref_slice %arg10[%add3A_26, %dma_wait3A_31] : memref<10240x128xf32, #tpu.memory_space<vmem_shared>> -> memref<64x128xf32, #tpu.memory_space<vmem_shared>>
        tpu.wait_dma2 semaphore(%run_scoped3A : memref<!tpu.dma_semaphore, #tpu.memory_space<semaphore_mem>>) src(%arg9 : memref<64x128xf32, #tpu.memory_space<vmem>>) dst(%dma_wait3A_32 : memref<64x128xf32, #tpu.memory_space<vmem_shared>>)
        tpu.yield
      }) : () -> ()
    }
    %scan3A_12 = arith.constant 10 : i32
    "tpu.region"() ({
      %run_scoped3A = tpu.sem_alloc : memref<!tpu.dma_semaphore, #tpu.memory_space<semaphore_mem>>
      %dma_start3A = arith.constant 0 : i32
      %dma_start3A_19 = arith.constant 0 : i32
      %dma_start3A_20 = tpu.memref_slice %arg3[%add3A, %dma_start3A, %dma_start3A_19] : memref<32x79x128xi32, #tpu.memory_space<hbm>> -> memref<1x79x128xi32, #tpu.memory_space<hbm>>
      %dma_start3A_21 = tpu.memref_squeeze %dma_start3A_20 : memref<1x79x128xi32, #tpu.memory_space<hbm>> -> memref<79x128xi32, #tpu.memory_space<hbm>>
      %dma_start3A_22 = arith.constant 0 : i32
      %dma_start3A_23 = arith.constant 0 : i32
      %dma_start3A_24 = tpu.memref_slice %arg3[%add3A, %dma_start3A_22, %dma_start3A_23] : memref<32x79x128xi32, #tpu.memory_space<hbm>> -> memref<1x79x128xi32, #tpu.memory_space<hbm>>
      %dma_start3A_25 = tpu.memref_squeeze %dma_start3A_24 : memref<1x79x128xi32, #tpu.memory_space<hbm>> -> memref<79x128xi32, #tpu.memory_space<hbm>>
      tpu.enqueue_dma source(%dma_start3A_25 : memref<79x128xi32, #tpu.memory_space<hbm>>) target(%arg6 : memref<79x128xi32, #tpu.memory_space<vmem>>) target_semaphore(%run_scoped3A : memref<!tpu.dma_semaphore, #tpu.memory_space<semaphore_mem>>)
      %dma_wait3A = arith.constant 0 : i32
      %dma_wait3A_26 = arith.constant 0 : i32
      %dma_wait3A_27 = tpu.memref_slice %arg3[%add3A, %dma_wait3A, %dma_wait3A_26] : memref<32x79x128xi32, #tpu.memory_space<hbm>> -> memref<1x79x128xi32, #tpu.memory_space<hbm>>
      %dma_wait3A_28 = tpu.memref_squeeze %dma_wait3A_27 : memref<1x79x128xi32, #tpu.memory_space<hbm>> -> memref<79x128xi32, #tpu.memory_space<hbm>>
      %dma_wait3A_29 = arith.constant 0 : i32
      %dma_wait3A_30 = arith.constant 0 : i32
      %dma_wait3A_31 = tpu.memref_slice %arg3[%add3A, %dma_wait3A_29, %dma_wait3A_30] : memref<32x79x128xi32, #tpu.memory_space<hbm>> -> memref<1x79x128xi32, #tpu.memory_space<hbm>>
      %dma_wait3A_32 = tpu.memref_squeeze %dma_wait3A_31 : memref<1x79x128xi32, #tpu.memory_space<hbm>> -> memref<79x128xi32, #tpu.memory_space<hbm>>
      tpu.wait_dma2 semaphore(%run_scoped3A : memref<!tpu.dma_semaphore, #tpu.memory_space<semaphore_mem>>) src(%dma_wait3A_32 : memref<79x128xi32, #tpu.memory_space<hbm>>) dst(%arg6 : memref<79x128xi32, #tpu.memory_space<vmem>>)
      tpu.yield
    }) : () -> ()
    "tpu.region"() ({
      %run_scoped3A = tpu.sem_alloc : memref<!tpu.dma_semaphore, #tpu.memory_space<semaphore_mem>>
      %dma_start3A = arith.constant 0 : i32
      %dma_start3A_19 = arith.constant 0 : i32
      %dma_start3A_20 = tpu.memref_slice %arg4[%add3A, %dma_start3A, %dma_start3A_19] : memref<32x79x128xi32, #tpu.memory_space<hbm>> -> memref<1x79x128xi32, #tpu.memory_space<hbm>>
      %dma_start3A_21 = tpu.memref_squeeze %dma_start3A_20 : memref<1x79x128xi32, #tpu.memory_space<hbm>> -> memref<79x128xi32, #tpu.memory_space<hbm>>
      %dma_start3A_22 = arith.constant 0 : i32
      %dma_start3A_23 = arith.constant 0 : i32
      %dma_start3A_24 = tpu.memref_slice %arg4[%add3A, %dma_start3A_22, %dma_start3A_23] : memref<32x79x128xi32, #tpu.memory_space<hbm>> -> memref<1x79x128xi32, #tpu.memory_space<hbm>>
      %dma_start3A_25 = tpu.memref_squeeze %dma_start3A_24 : memref<1x79x128xi32, #tpu.memory_space<hbm>> -> memref<79x128xi32, #tpu.memory_space<hbm>>
      tpu.enqueue_dma source(%dma_start3A_25 : memref<79x128xi32, #tpu.memory_space<hbm>>) target(%arg7 : memref<79x128xi32, #tpu.memory_space<vmem>>) target_semaphore(%run_scoped3A : memref<!tpu.dma_semaphore, #tpu.memory_space<semaphore_mem>>)
      %dma_wait3A = arith.constant 0 : i32
      %dma_wait3A_26 = arith.constant 0 : i32
      %dma_wait3A_27 = tpu.memref_slice %arg4[%add3A, %dma_wait3A, %dma_wait3A_26] : memref<32x79x128xi32, #tpu.memory_space<hbm>> -> memref<1x79x128xi32, #tpu.memory_space<hbm>>
      %dma_wait3A_28 = tpu.memref_squeeze %dma_wait3A_27 : memref<1x79x128xi32, #tpu.memory_space<hbm>> -> memref<79x128xi32, #tpu.memory_space<hbm>>
      %dma_wait3A_29 = arith.constant 0 : i32
      %dma_wait3A_30 = arith.constant 0 : i32
      %dma_wait3A_31 = tpu.memref_slice %arg4[%add3A, %dma_wait3A_29, %dma_wait3A_30] : memref<32x79x128xi32, #tpu.memory_space<hbm>> -> memref<1x79x128xi32, #tpu.memory_space<hbm>>
      %dma_wait3A_32 = tpu.memref_squeeze %dma_wait3A_31 : memref<1x79x128xi32, #tpu.memory_space<hbm>> -> memref<79x128xi32, #tpu.memory_space<hbm>>
      tpu.wait_dma2 semaphore(%run_scoped3A : memref<!tpu.dma_semaphore, #tpu.memory_space<semaphore_mem>>) src(%dma_wait3A_32 : memref<79x128xi32, #tpu.memory_space<hbm>>) dst(%arg7 : memref<79x128xi32, #tpu.memory_space<vmem>>)
      tpu.yield
    }) : () -> ()
    %barrier3A = arith.constant 0 : index
    tpu.barrier barrier_id(%barrier3A)
    %scan3A_13 = arith.constant 0 : i32
    %scan3A_14 = arith.constant 79 : i32
    %scan3A_15 = arith.addi %scan3A_13, %scan3A_14 : i32
    %scan3A_16 = arith.constant 1 : i32
    scf.for %scan3A_19 = %scan3A_13 to %scan3A_15 step %scan3A_16  : i32 {
      %mul3A_20 = arith.constant 1 : i32
      %mul3A_21 = arith.muli %scan3A_19, %mul3A_20 : i32
      %add3A_22 = arith.constant 0 : i32
      %add3A_23 = arith.addi %add3A_22, %mul3A_21 : i32
      "tpu.region"() ({
        %run_scoped3A = tpu.sem_alloc : memref<!tpu.dma_semaphore, #tpu.memory_space<semaphore_mem>>
        %dma_start3A = arith.constant 0 : i32
        %dma_start3A_24 = tpu.memref_slice %arg6[%add3A_23, %dma_start3A] : memref<79x128xi32, #tpu.memory_space<vmem>> -> memref<1x128xi32, #tpu.memory_space<vmem>>
        %dma_start3A_25 = tpu.memref_squeeze %dma_start3A_24 : memref<1x128xi32, #tpu.memory_space<vmem>> -> memref<128xi32, #tpu.memory_space<vmem>>
        %dma_start3A_26 = arith.constant 0 : i32
        %dma_start3A_27 = arith.constant 0 : i32
        %dma_start3A_28 = tpu.memref_slice %arg2[%dma_start3A_26, %dma_start3A_27] : memref<10000x128xf32, #tpu.memory_space<hbm>> -> memref<10000x128xf32, #tpu.memory_space<hbm>>
        tpu.enqueue_indirect_dma source(%dma_start3A_28 : memref<10000x128xf32, #tpu.memory_space<hbm>>) target(%arg8 : memref<128x128xf32, #tpu.memory_space<vmem>>) offsets(%dma_start3A_25 : memref<128xi32, #tpu.memory_space<vmem>>) semaphore(%run_scoped3A : memref<!tpu.dma_semaphore, #tpu.memory_space<semaphore_mem>>)
        %dma_wait3A = arith.constant 0 : i32
        %dma_wait3A_29 = tpu.memref_slice %arg6[%add3A_23, %dma_wait3A] : memref<79x128xi32, #tpu.memory_space<vmem>> -> memref<1x128xi32, #tpu.memory_space<vmem>>
        %dma_wait3A_30 = tpu.memref_squeeze %dma_wait3A_29 : memref<1x128xi32, #tpu.memory_space<vmem>> -> memref<128xi32, #tpu.memory_space<vmem>>
        %dma_wait3A_31 = arith.constant 0 : i32
        %dma_wait3A_32 = arith.constant 0 : i32
        %dma_wait3A_33 = tpu.memref_slice %arg2[%dma_wait3A_31, %dma_wait3A_32] : memref<10000x128xf32, #tpu.memory_space<hbm>> -> memref<10000x128xf32, #tpu.memory_space<hbm>>
        tpu.wait_indirect_dma semaphore(%run_scoped3A : memref<!tpu.dma_semaphore, #tpu.memory_space<semaphore_mem>>) src(%dma_wait3A_33 : memref<10000x128xf32, #tpu.memory_space<hbm>>) dst(%arg8 : memref<128x128xf32, #tpu.memory_space<vmem>>)
        tpu.yield
      }) : () -> ()
      "tpu.region"() ({
        %run_scoped3A = tpu.sem_alloc : memref<!tpu.dma_semaphore, #tpu.memory_space<semaphore_mem>>
        %dma_start3A = arith.constant 0 : i32
        %dma_start3A_24 = tpu.memref_slice %arg7[%add3A_23, %dma_start3A] : memref<79x128xi32, #tpu.memory_space<vmem>> -> memref<1x128xi32, #tpu.memory_space<vmem>>
        %dma_start3A_25 = tpu.memref_squeeze %dma_start3A_24 : memref<1x128xi32, #tpu.memory_space<vmem>> -> memref<128xi32, #tpu.memory_space<vmem>>
        %dma_start3A_26 = arith.constant 0 : i32
        %dma_start3A_27 = arith.constant 0 : i32
        %dma_start3A_28 = tpu.memref_slice %arg10[%dma_start3A_26, %dma_start3A_27] : memref<10240x128xf32, #tpu.memory_space<vmem_shared>> -> memref<10240x128xf32, #tpu.memory_space<vmem_shared>>
        tpu.enqueue_indirect_dma source(%arg8 : memref<128x128xf32, #tpu.memory_space<vmem>>) target(%dma_start3A_28 : memref<10240x128xf32, #tpu.memory_space<vmem_shared>>) offsets(%dma_start3A_25 : memref<128xi32, #tpu.memory_space<vmem>>) semaphore(%run_scoped3A : memref<!tpu.dma_semaphore, #tpu.memory_space<semaphore_mem>>) {add = true}
        %dma_wait3A = arith.constant 0 : i32
        %dma_wait3A_29 = tpu.memref_slice %arg7[%add3A_23, %dma_wait3A] : memref<79x128xi32, #tpu.memory_space<vmem>> -> memref<1x128xi32, #tpu.memory_space<vmem>>
        %dma_wait3A_30 = tpu.memref_squeeze %dma_wait3A_29 : memref<1x128xi32, #tpu.memory_space<vmem>> -> memref<128xi32, #tpu.memory_space<vmem>>
        %dma_wait3A_31 = arith.constant 0 : i32
        %dma_wait3A_32 = arith.constant 0 : i32
        %dma_wait3A_33 = tpu.memref_slice %arg10[%dma_wait3A_31, %dma_wait3A_32] : memref<10240x128xf32, #tpu.memory_space<vmem_shared>> -> memref<10240x128xf32, #tpu.memory_space<vmem_shared>>
        tpu.wait_indirect_dma semaphore(%run_scoped3A : memref<!tpu.dma_semaphore, #tpu.memory_space<semaphore_mem>>) src(%arg8 : memref<128x128xf32, #tpu.memory_space<vmem>>) dst(%dma_wait3A_33 : memref<10240x128xf32, #tpu.memory_space<vmem_shared>>)
        tpu.yield
      }) : () -> ()
    }
    %scan3A_17 = arith.constant 79 : i32
    %barrier3A_18 = arith.constant 0 : index
    tpu.barrier barrier_id(%barrier3A_18)
    "tpu.region"() ({
      %run_scoped3A = tpu.sem_alloc : memref<!tpu.dma_semaphore, #tpu.memory_space<semaphore_mem>>
      %dma_start3A = arith.constant 0 : i32
      %dma_start3A_19 = tpu.memref_slice %arg5[%arg0, %mul3A_2, %dma_start3A] : memref<2x10240x128xf32, #tpu.memory_space<hbm>> -> memref<1x640x128xf32, #tpu.memory_space<hbm>>
      %dma_start3A_20 = tpu.memref_squeeze %dma_start3A_19 : memref<1x640x128xf32, #tpu.memory_space<hbm>> -> memref<640x128xf32, #tpu.memory_space<hbm>>
      %dma_start3A_21 = arith.constant 0 : i32
      %dma_start3A_22 = tpu.memref_slice %arg10[%mul3A_2, %dma_start3A_21] : memref<10240x128xf32, #tpu.memory_space<vmem_shared>> -> memref<640x128xf32, #tpu.memory_space<vmem_shared>>
      tpu.enqueue_dma source(%dma_start3A_22 : memref<640x128xf32, #tpu.memory_space<vmem_shared>>) target(%dma_start3A_20 : memref<640x128xf32, #tpu.memory_space<hbm>>) target_semaphore(%run_scoped3A : memref<!tpu.dma_semaphore, #tpu.memory_space<semaphore_mem>>)
      %dma_wait3A = arith.constant 0 : i32
      %dma_wait3A_23 = tpu.memref_slice %arg5[%arg0, %mul3A_2, %dma_wait3A] : memref<2x10240x128xf32, #tpu.memory_space<hbm>> -> memref<1x640x128xf32, #tpu.memory_space<hbm>>
      %dma_wait3A_24 = tpu.memref_squeeze %dma_wait3A_23 : memref<1x640x128xf32, #tpu.memory_space<hbm>> -> memref<640x128xf32, #tpu.memory_space<hbm>>
      %dma_wait3A_25 = arith.constant 0 : i32
      %dma_wait3A_26 = tpu.memref_slice %arg10[%mul3A_2, %dma_wait3A_25] : memref<10240x128xf32, #tpu.memory_space<vmem_shared>> -> memref<640x128xf32, #tpu.memory_space<vmem_shared>>
      tpu.wait_dma2 semaphore(%run_scoped3A : memref<!tpu.dma_semaphore, #tpu.memory_space<semaphore_mem>>) src(%dma_wait3A_26 : memref<640x128xf32, #tpu.memory_space<vmem_shared>>) dst(%dma_wait3A_24 : memref<640x128xf32, #tpu.memory_space<hbm>>)
      tpu.yield
    }) : () -> ()
    return
  }
}

#map = affine_map<(d0, d1) -> (0, 0)>
#map1 = affine_map<(d0, d1) -> (0, 0, 0)>
module attributes {stable_mosaic.version = 14 : i64} {
  func.func @body(%arg0: i32, %arg1: i32, %arg2: memref<10000x128xf32, #tpu.memory_space<hbm>>, %arg3: memref<32x79x128xi32, #tpu.memory_space<hbm>>, %arg4: memref<32x79x128xi32, #tpu.memory_space<hbm>>, %arg5: memref<2x10240x128xf32, #tpu.memory_space<hbm>>, %arg6: memref<79x128xi32, #tpu.memory_space<vmem>>, %arg7: memref<79x128xi32, #tpu.memory_space<vmem>>, %arg8: memref<128x128xf32, #tpu.memory_space<vmem>>, %arg9: memref<64x128xf32, #tpu.memory_space<vmem>>, %arg10: memref<10240x128xf32, #tpu.memory_space<vmem_shared>>) attributes {dimension_semantics = [#tpu.dimension_semantics<core_parallel>, #tpu.dimension_semantics<subcore_parallel>], iteration_bounds = array<i64: 2, 16>, scalar_prefetch = 0 : i64, scratch_operands = 5 : i64, tpu.core_type = #tpu.core_type<sc_vector_subcore>, window_params = [{transform_indices = #map}, {transform_indices = #map1}, {transform_indices = #map1}, {transform_indices = #map1}]} {
    %mul3A = arith.constant 16 : i32
    %mul3A_0 = arith.muli %arg0, %mul3A : i32
    %add3A = arith.addi %mul3A_0, %arg1 : i32
    %mul3A_1 = arith.constant 640 : i32
    %mul3A_2 = arith.muli %arg1, %mul3A_1 : i32
    %broadcast_in_dim3A = arith.constant 0.000000e+00 : f32
    %broadcast_in_dim3A_3 = vector.broadcast %broadcast_in_dim3A : f32 to vector<16xf32>
    %scan3A = arith.constant 0 : i32
    %scan3A_4 = arith.constant 64 : i32
    %scan3A_5 = arith.addi %scan3A, %scan3A_4 : i32
    %scan3A_6 = arith.constant 1 : i32
    scf.for %scan3A_19 = %scan3A to %scan3A_5 step %scan3A_6  : i32 {
      %mul3A_20 = arith.constant 1 : i32
      %mul3A_21 = arith.muli %scan3A_19, %mul3A_20 : i32
      %add3A_22 = arith.constant 0 : i32
      %add3A_23 = arith.addi %add3A_22, %mul3A_21 : i32
      %scan3A_24 = arith.constant 0 : i32
      %scan3A_25 = arith.constant 8 : i32
      %scan3A_26 = arith.addi %scan3A_24, %scan3A_25 : i32
      %scan3A_27 = arith.constant 1 : i32
      scf.for %scan3A_29 = %scan3A_24 to %scan3A_26 step %scan3A_27  : i32 {
        %mul3A_30 = arith.constant 1 : i32
        %mul3A_31 = arith.muli %scan3A_29, %mul3A_30 : i32
        %add3A_32 = arith.constant 0 : i32
        %add3A_33 = arith.addi %add3A_32, %mul3A_31 : i32
        %mul3A_34 = arith.constant 16 : i32
        %mul3A_35 = arith.muli %add3A_33, %mul3A_34 : i32
        %swap3A = arith.index_cast %add3A_23 : i32 to index
        %swap3A_36 = arith.index_cast %mul3A_35 : i32 to index
        %swap3A_37 = tpu.vector_load %arg9[%swap3A, %swap3A_36] {strides = array<i32>} : memref<64x128xf32, #tpu.memory_space<vmem>>, vector<1x16xf32>,
        %swap3A_38 = vector.shape_cast %swap3A_37 : vector<1x16xf32> to vector<16xf32>
        %swap3A_39 = vector.shape_cast %broadcast_in_dim3A_3 : vector<16xf32> to vector<1x16xf32>
        tpu.vector_store %arg9[%swap3A, %swap3A_36], %swap3A_39 {strides = array<i32>} : memref<64x128xf32, #tpu.memory_space<vmem>>, vector<1x16xf32>,
      }
      %scan3A_28 = arith.constant 8 : i32
    }
    %scan3A_7 = arith.constant 64 : i32
    %scan3A_8 = arith.constant 0 : i32
    %scan3A_9 = arith.constant 10 : i32
    %scan3A_10 = arith.addi %scan3A_8, %scan3A_9 : i32
    %scan3A_11 = arith.constant 1 : i32
    scf.for %scan3A_19 = %scan3A_8 to %scan3A_10 step %scan3A_11  : i32 {
      %mul3A_20 = arith.constant 1 : i32
      %mul3A_21 = arith.muli %scan3A_19, %mul3A_20 : i32
      %add3A_22 = arith.constant 0 : i32
      %add3A_23 = arith.addi %add3A_22, %mul3A_21 : i32
      %mul3A_24 = arith.constant 64 : i32
      %mul3A_25 = arith.muli %add3A_23, %mul3A_24 : i32
      %add3A_26 = arith.addi %mul3A_2, %mul3A_25 : i32
      "tpu.region"() ({
        %run_scoped3A = tpu.sem_alloc : memref<!tpu.dma_semaphore, #tpu.memory_space<semaphore_mem>>
        %dma_start3A = arith.constant 0 : i32
        %dma_start3A_27 = tpu.memref_slice %arg10[%add3A_26, %dma_start3A] : memref<10240x128xf32, #tpu.memory_space<vmem_shared>> -> memref<64x128xf32, #tpu.memory_space<vmem_shared>>
        %dma_start3A_28 = arith.constant 0 : i32
        %dma_start3A_29 = tpu.memref_slice %arg10[%add3A_26, %dma_start3A_28] : memref<10240x128xf32, #tpu.memory_space<vmem_shared>> -> memref<64x128xf32, #tpu.memory_space<vmem_shared>>
        tpu.enqueue_dma source(%arg9 : memref<64x128xf32, #tpu.memory_space<vmem>>) target(%dma_start3A_29 : memref<64x128xf32, #tpu.memory_space<vmem_shared>>) target_semaphore(%run_scoped3A : memref<!tpu.dma_semaphore, #tpu.memory_space<semaphore_mem>>)
        %dma_wait3A = arith.constant 0 : i32
        %dma_wait3A_30 = tpu.memref_slice %arg10[%add3A_26, %dma_wait3A] : memref<10240x128xf32, #tpu.memory_space<vmem_shared>> -> memref<64x128xf32, #tpu.memory_space<vmem_shared>>
        %dma_wait3A_31 = arith.constant 0 : i32
        %dma_wait3A_32 = tpu.memref_slice %arg10[%add3A_26, %dma_wait3A_31] : memref<10240x128xf32, #tpu.memory_space<vmem_shared>> -> memref<64x128xf32, #tpu.memory_space<vmem_shared>>
        tpu.wait_dma2 semaphore(%run_scoped3A : memref<!tpu.dma_semaphore, #tpu.memory_space<semaphore_mem>>) src(%arg9 : memref<64x128xf32, #tpu.memory_space<vmem>>) dst(%dma_wait3A_32 : memref<64x128xf32, #tpu.memory_space<vmem_shared>>)
        tpu.yield
      }) : () -> ()
    }
    %scan3A_12 = arith.constant 10 : i32
    "tpu.region"() ({
      %run_scoped3A = tpu.sem_alloc : memref<!tpu.dma_semaphore, #tpu.memory_space<semaphore_mem>>
      %dma_start3A = arith.constant 0 : i32
      %dma_start3A_19 = arith.constant 0 : i32
      %dma_start3A_20 = tpu.memref_slice %arg3[%add3A, %dma_start3A, %dma_start3A_19] : memref<32x79x128xi32, #tpu.memory_space<hbm>> -> memref<1x79x128xi32, #tpu.memory_space<hbm>>
      %dma_start3A_21 = tpu.memref_squeeze %dma_start3A_20 : memref<1x79x128xi32, #tpu.memory_space<hbm>> -> memref<79x128xi32, #tpu.memory_space<hbm>>
      %dma_start3A_22 = arith.constant 0 : i32
      %dma_start3A_23 = arith.constant 0 : i32
      %dma_start3A_24 = tpu.memref_slice %arg3[%add3A, %dma_start3A_22, %dma_start3A_23] : memref<32x79x128xi32, #tpu.memory_space<hbm>> -> memref<1x79x128xi32, #tpu.memory_space<hbm>>
      %dma_start3A_25 = tpu.memref_squeeze %dma_start3A_24 : memref<1x79x128xi32, #tpu.memory_space<hbm>> -> memref<79x128xi32, #tpu.memory_space<hbm>>
      tpu.enqueue_dma source(%dma_start3A_25 : memref<79x128xi32, #tpu.memory_space<hbm>>) target(%arg6 : memref<79x128xi32, #tpu.memory_space<vmem>>) target_semaphore(%run_scoped3A : memref<!tpu.dma_semaphore, #tpu.memory_space<semaphore_mem>>)
      %dma_wait3A = arith.constant 0 : i32
      %dma_wait3A_26 = arith.constant 0 : i32
      %dma_wait3A_27 = tpu.memref_slice %arg3[%add3A, %dma_wait3A, %dma_wait3A_26] : memref<32x79x128xi32, #tpu.memory_space<hbm>> -> memref<1x79x128xi32, #tpu.memory_space<hbm>>
      %dma_wait3A_28 = tpu.memref_squeeze %dma_wait3A_27 : memref<1x79x128xi32, #tpu.memory_space<hbm>> -> memref<79x128xi32, #tpu.memory_space<hbm>>
      %dma_wait3A_29 = arith.constant 0 : i32
      %dma_wait3A_30 = arith.constant 0 : i32
      %dma_wait3A_31 = tpu.memref_slice %arg3[%add3A, %dma_wait3A_29, %dma_wait3A_30] : memref<32x79x128xi32, #tpu.memory_space<hbm>> -> memref<1x79x128xi32, #tpu.memory_space<hbm>>
      %dma_wait3A_32 = tpu.memref_squeeze %dma_wait3A_31 : memref<1x79x128xi32, #tpu.memory_space<hbm>> -> memref<79x128xi32, #tpu.memory_space<hbm>>
      tpu.wait_dma2 semaphore(%run_scoped3A : memref<!tpu.dma_semaphore, #tpu.memory_space<semaphore_mem>>) src(%dma_wait3A_32 : memref<79x128xi32, #tpu.memory_space<hbm>>) dst(%arg6 : memref<79x128xi32, #tpu.memory_space<vmem>>)
      tpu.yield
    }) : () -> ()
    "tpu.region"() ({
      %run_scoped3A = tpu.sem_alloc : memref<!tpu.dma_semaphore, #tpu.memory_space<semaphore_mem>>
      %dma_start3A = arith.constant 0 : i32
      %dma_start3A_19 = arith.constant 0 : i32
      %dma_start3A_20 = tpu.memref_slice %arg4[%add3A, %dma_start3A, %dma_start3A_19] : memref<32x79x128xi32, #tpu.memory_space<hbm>> -> memref<1x79x128xi32, #tpu.memory_space<hbm>>
      %dma_start3A_21 = tpu.memref_squeeze %dma_start3A_20 : memref<1x79x128xi32, #tpu.memory_space<hbm>> -> memref<79x128xi32, #tpu.memory_space<hbm>>
      %dma_start3A_22 = arith.constant 0 : i32
      %dma_start3A_23 = arith.constant 0 : i32
      %dma_start3A_24 = tpu.memref_slice %arg4[%add3A, %dma_start3A_22, %dma_start3A_23] : memref<32x79x128xi32, #tpu.memory_space<hbm>> -> memref<1x79x128xi32, #tpu.memory_space<hbm>>
      %dma_start3A_25 = tpu.memref_squeeze %dma_start3A_24 : memref<1x79x128xi32, #tpu.memory_space<hbm>> -> memref<79x128xi32, #tpu.memory_space<hbm>>
      tpu.enqueue_dma source(%dma_start3A_25 : memref<79x128xi32, #tpu.memory_space<hbm>>) target(%arg7 : memref<79x128xi32, #tpu.memory_space<vmem>>) target_semaphore(%run_scoped3A : memref<!tpu.dma_semaphore, #tpu.memory_space<semaphore_mem>>)
      %dma_wait3A = arith.constant 0 : i32
      %dma_wait3A_26 = arith.constant 0 : i32
      %dma_wait3A_27 = tpu.memref_slice %arg4[%add3A, %dma_wait3A, %dma_wait3A_26] : memref<32x79x128xi32, #tpu.memory_space<hbm>> -> memref<1x79x128xi32, #tpu.memory_space<hbm>>
      %dma_wait3A_28 = tpu.memref_squeeze %dma_wait3A_27 : memref<1x79x128xi32, #tpu.memory_space<hbm>> -> memref<79x128xi32, #tpu.memory_space<hbm>>
      %dma_wait3A_29 = arith.constant 0 : i32
      %dma_wait3A_30 = arith.constant 0 : i32
      %dma_wait3A_31 = tpu.memref_slice %arg4[%add3A, %dma_wait3A_29, %dma_wait3A_30] : memref<32x79x128xi32, #tpu.memory_space<hbm>> -> memref<1x79x128xi32, #tpu.memory_space<hbm>>
      %dma_wait3A_32 = tpu.memref_squeeze %dma_wait3A_31 : memref<1x79x128xi32, #tpu.memory_space<hbm>> -> memref<79x128xi32, #tpu.memory_space<hbm>>
      tpu.wait_dma2 semaphore(%run_scoped3A : memref<!tpu.dma_semaphore, #tpu.memory_space<semaphore_mem>>) src(%dma_wait3A_32 : memref<79x128xi32, #tpu.memory_space<hbm>>) dst(%arg7 : memref<79x128xi32, #tpu.memory_space<vmem>>)
      tpu.yield
    }) : () -> ()
    %barrier3A = arith.constant 0 : index
    tpu.barrier barrier_id(%barrier3A)
    %scan3A_13 = arith.constant 0 : i32
    %scan3A_14 = arith.constant 79 : i32
    %scan3A_15 = arith.addi %scan3A_13, %scan3A_14 : i32
    %scan3A_16 = arith.constant 1 : i32
    scf.for %scan3A_19 = %scan3A_13 to %scan3A_15 step %scan3A_16  : i32 {
      %mul3A_20 = arith.constant 1 : i32
      %mul3A_21 = arith.muli %scan3A_19, %mul3A_20 : i32
      %add3A_22 = arith.constant 0 : i32
      %add3A_23 = arith.addi %add3A_22, %mul3A_21 : i32
      "tpu.region"() ({
        %run_scoped3A = tpu.sem_alloc : memref<!tpu.dma_semaphore, #tpu.memory_space<semaphore_mem>>
        %dma_start3A = arith.constant 0 : i32
        %dma_start3A_24 = tpu.memref_slice %arg6[%add3A_23, %dma_start3A] : memref<79x128xi32, #tpu.memory_space<vmem>> -> memref<1x128xi32, #tpu.memory_space<vmem>>
        %dma_start3A_25 = tpu.memref_squeeze %dma_start3A_24 : memref<1x128xi32, #tpu.memory_space<vmem>> -> memref<128xi32, #tpu.memory_space<vmem>>
        %dma_start3A_26 = arith.constant 0 : i32
        %dma_start3A_27 = arith.constant 0 : i32
        %dma_start3A_28 = tpu.memref_slice %arg2[%dma_start3A_26, %dma_start3A_27] : memref<10000x128xf32, #tpu.memory_space<hbm>> -> memref<10000x128xf32, #tpu.memory_space<hbm>>
        tpu.enqueue_indirect_dma source(%dma_start3A_28 : memref<10000x128xf32, #tpu.memory_space<hbm>>) target(%arg8 : memref<128x128xf32, #tpu.memory_space<vmem>>) offsets(%dma_start3A_25 : memref<128xi32, #tpu.memory_space<vmem>>) semaphore(%run_scoped3A : memref<!tpu.dma_semaphore, #tpu.memory_space<semaphore_mem>>)
        %dma_wait3A = arith.constant 0 : i32
        %dma_wait3A_29 = tpu.memref_slice %arg6[%add3A_23, %dma_wait3A] : memref<79x128xi32, #tpu.memory_space<vmem>> -> memref<1x128xi32, #tpu.memory_space<vmem>>
        %dma_wait3A_30 = tpu.memref_squeeze %dma_wait3A_29 : memref<1x128xi32, #tpu.memory_space<vmem>> -> memref<128xi32, #tpu.memory_space<vmem>>
        %dma_wait3A_31 = arith.constant 0 : i32
        %dma_wait3A_32 = arith.constant 0 : i32
        %dma_wait3A_33 = tpu.memref_slice %arg2[%dma_wait3A_31, %dma_wait3A_32] : memref<10000x128xf32, #tpu.memory_space<hbm>> -> memref<10000x128xf32, #tpu.memory_space<hbm>>
        tpu.wait_indirect_dma semaphore(%run_scoped3A : memref<!tpu.dma_semaphore, #tpu.memory_space<semaphore_mem>>) src(%dma_wait3A_33 : memref<10000x128xf32, #tpu.memory_space<hbm>>) dst(%arg8 : memref<128x128xf32, #tpu.memory_space<vmem>>)
        tpu.yield
      }) : () -> ()
      "tpu.region"() ({
        %run_scoped3A = tpu.sem_alloc : memref<!tpu.dma_semaphore, #tpu.memory_space<semaphore_mem>>
        %dma_start3A = arith.constant 0 : i32
        %dma_start3A_24 = tpu.memref_slice %arg7[%add3A_23, %dma_start3A] : memref<79x128xi32, #tpu.memory_space<vmem>> -> memref<1x128xi32, #tpu.memory_space<vmem>>
        %dma_start3A_25 = tpu.memref_squeeze %dma_start3A_24 : memref<1x128xi32, #tpu.memory_space<vmem>> -> memref<128xi32, #tpu.memory_space<vmem>>
        %dma_start3A_26 = arith.constant 0 : i32
        %dma_start3A_27 = arith.constant 0 : i32
        %dma_start3A_28 = tpu.memref_slice %arg10[%dma_start3A_26, %dma_start3A_27] : memref<10240x128xf32, #tpu.memory_space<vmem_shared>> -> memref<10240x128xf32, #tpu.memory_space<vmem_shared>>
        tpu.enqueue_indirect_dma source(%arg8 : memref<128x128xf32, #tpu.memory_space<vmem>>) target(%dma_start3A_28 : memref<10240x128xf32, #tpu.memory_space<vmem_shared>>) offsets(%dma_start3A_25 : memref<128xi32, #tpu.memory_space<vmem>>) semaphore(%run_scoped3A : memref<!tpu.dma_semaphore, #tpu.memory_space<semaphore_mem>>) {add = true}
        %dma_wait3A = arith.constant 0 : i32
        %dma_wait3A_29 = tpu.memref_slice %arg7[%add3A_23, %dma_wait3A] : memref<79x128xi32, #tpu.memory_space<vmem>> -> memref<1x128xi32, #tpu.memory_space<vmem>>
        %dma_wait3A_30 = tpu.memref_squeeze %dma_wait3A_29 : memref<1x128xi32, #tpu.memory_space<vmem>> -> memref<128xi32, #tpu.memory_space<vmem>>
        %dma_wait3A_31 = arith.constant 0 : i32
        %dma_wait3A_32 = arith.constant 0 : i32
        %dma_wait3A_33 = tpu.memref_slice %arg10[%dma_wait3A_31, %dma_wait3A_32] : memref<10240x128xf32, #tpu.memory_space<vmem_shared>> -> memref<10240x128xf32, #tpu.memory_space<vmem_shared>>
        tpu.wait_indirect_dma semaphore(%run_scoped3A : memref<!tpu.dma_semaphore, #tpu.memory_space<semaphore_mem>>) src(%arg8 : memref<128x128xf32, #tpu.memory_space<vmem>>) dst(%dma_wait3A_33 : memref<10240x128xf32, #tpu.memory_space<vmem_shared>>)
        tpu.yield
      }) : () -> ()
    }
    %scan3A_17 = arith.constant 79 : i32
    %barrier3A_18 = arith.constant 0 : index
    tpu.barrier barrier_id(%barrier3A_18)
    "tpu.region"() ({
      %run_scoped3A = tpu.sem_alloc : memref<!tpu.dma_semaphore, #tpu.memory_space<semaphore_mem>>
      %dma_start3A = arith.constant 0 : i32
      %dma_start3A_19 = tpu.memref_slice %arg5[%arg0, %mul3A_2, %dma_start3A] : memref<2x10240x128xf32, #tpu.memory_space<hbm>> -> memref<1x640x128xf32, #tpu.memory_space<hbm>>
      %dma_start3A_20 = tpu.memref_squeeze %dma_start3A_19 : memref<1x640x128xf32, #tpu.memory_space<hbm>> -> memref<640x128xf32, #tpu.memory_space<hbm>>
      %dma_start3A_21 = arith.constant 0 : i32
      %dma_start3A_22 = tpu.memref_slice %arg10[%mul3A_2, %dma_start3A_21] : memref<10240x128xf32, #tpu.memory_space<vmem_shared>> -> memref<640x128xf32, #tpu.memory_space<vmem_shared>>
      tpu.enqueue_dma source(%dma_start3A_22 : memref<640x128xf32, #tpu.memory_space<vmem_shared>>) target(%dma_start3A_20 : memref<640x128xf32, #tpu.memory_space<hbm>>) target_semaphore(%run_scoped3A : memref<!tpu.dma_semaphore, #tpu.memory_space<semaphore_mem>>)
      %dma_wait3A = arith.constant 0 : i32
      %dma_wait3A_23 = tpu.memref_slice %arg5[%arg0, %mul3A_2, %dma_wait3A] : memref<2x10240x128xf32, #tpu.memory_space<hbm>> -> memref<1x640x128xf32, #tpu.memory_space<hbm>>
      %dma_wait3A_24 = tpu.memref_squeeze %dma_wait3A_23 : memref<1x640x128xf32, #tpu.memory_space<hbm>> -> memref<640x128xf32, #tpu.memory_space<hbm>>
      %dma_wait3A_25 = arith.constant 0 : i32
      %dma_wait3A_26 = tpu.memref_slice %arg10[%mul3A_2, %dma_wait3A_25] : memref<10240x128xf32, #tpu.memory_space<vmem_shared>> -> memref<640x128xf32, #tpu.memory_space<vmem_shared>>
      tpu.wait_dma2 semaphore(%run_scoped3A : memref<!tpu.dma_semaphore, #tpu.memory_space<semaphore_mem>>) src(%dma_wait3A_26 : memref<640x128xf32, #tpu.memory_space<vmem_shared>>) dst(%dma_wait3A_24 : memref<640x128xf32, #tpu.memory_space<hbm>>)
      tpu.yield
    }) : () -> ()
    return
  }
}

module attributes {stable_mosaic.version = 14 : i64} {
  func.func @_mm2_body(%arg0: i32, %arg1: memref<2048x128xf32, #tpu.memory_space<vmem>>, %arg2: memref<128x128xf32, #tpu.memory_space<vmem>>, %arg3: memref<128x128xf32, #tpu.memory_space<vmem>>, %arg4: memref<1x128xf32, #tpu.memory_space<vmem>>, %arg5: memref<2048x128xf32, #tpu.memory_space<vmem>>, %arg6: memref<2048x128xf32, #tpu.memory_space<vmem>>) attributes {dimension_semantics = [#tpu.dimension_semantics<arbitrary>], iteration_bounds = array<i64: 5>, scalar_prefetch = 0 : i64, scratch_operands = 0 : i64, tpu.core_type = #tpu.core_type<tc>, window_params = [{transform_indices = @transform_0, window_bounds = array<i64: 2048, 128>}, {pipeline_mode = #tpu.pipeline_mode<synchronous>, transform_indices = @transform_1, window_bounds = array<i64: 128, 128>}, {pipeline_mode = #tpu.pipeline_mode<synchronous>, transform_indices = @transform_2, window_bounds = array<i64: 128, 128>}, {pipeline_mode = #tpu.pipeline_mode<synchronous>, transform_indices = @transform_3, window_bounds = array<i64: 1, 128>}, {transform_indices = @transform_4, window_bounds = array<i64: 2048, 128>}, {transform_indices = @transform_5, window_bounds = array<i64: 2048, 128>}]} {
    %get3A = arith.constant 0 : index
    %get3A_0 = arith.constant 0 : index
    %get3A_1 = vector.load %arg1[%get3A, %get3A_0] : memref<2048x128xf32, #tpu.memory_space<vmem>>, vector<2048x128xf32>
    %get3A_2 = arith.constant 0 : index
    %get3A_3 = arith.constant 0 : index
    %get3A_4 = vector.load %arg2[%get3A_2, %get3A_3] : memref<128x128xf32, #tpu.memory_space<vmem>>, vector<128x128xf32>
    %dot_general3A = arith.constant dense<0.000000e+00> : vector<2048x128xf32>
    %dot_general3A_5 = tpu.matmul %get3A_1, %get3A_4, %dot_general3A {dimension_numbers = #tpu.dot_dimension_numbers<[1], [1], [0], [0], [0, 0, 1, 0], [], []>, transpose_lhs_hint = false} : vector<2048x128xf32>, vector<128x128xf32>, vector<2048x128xf32> -> vector<2048x128xf32>
    %swap3A = arith.constant 0 : index
    %swap3A_6 = arith.constant 0 : index
    %swap3A_7 = vector.load %arg5[%swap3A, %swap3A_6] : memref<2048x128xf32, #tpu.memory_space<vmem>>, vector<2048x128xf32>
    tpu.vector_store %arg5[%swap3A, %swap3A_6], %dot_general3A_5 {strides = array<i32>} : memref<2048x128xf32, #tpu.memory_space<vmem>>, vector<2048x128xf32>,
    %get3A_8 = arith.constant 0 : index
    %get3A_9 = arith.constant 0 : index
    %get3A_10 = vector.load %arg3[%get3A_8, %get3A_9] : memref<128x128xf32, #tpu.memory_space<vmem>>, vector<128x128xf32>
    %dot_general3A_11 = arith.constant dense<0.000000e+00> : vector<2048x128xf32>
    %dot_general3A_12 = tpu.matmul %get3A_1, %get3A_10, %dot_general3A_11 {dimension_numbers = #tpu.dot_dimension_numbers<[1], [1], [0], [0], [0, 0, 1, 0], [], []>, transpose_lhs_hint = false} : vector<2048x128xf32>, vector<128x128xf32>, vector<2048x128xf32> -> vector<2048x128xf32>
    %get3A_13 = arith.constant 0 : index
    %get3A_14 = arith.constant 0 : index
    %get3A_15 = vector.load %arg4[%get3A_13, %get3A_14] : memref<1x128xf32, #tpu.memory_space<vmem>>, vector<1x128xf32>
    %add3A = vector.broadcast %get3A_15 : vector<1x128xf32> to vector<2048x128xf32>
    %add3A_16 = arith.addf %dot_general3A_12, %add3A : vector<2048x128xf32>
    %swap3A_17 = arith.constant 0 : index
    %swap3A_18 = arith.constant 0 : index
    %swap3A_19 = vector.load %arg6[%swap3A_17, %swap3A_18] : memref<2048x128xf32, #tpu.memory_space<vmem>>, vector<2048x128xf32>
    tpu.vector_store %arg6[%swap3A_17, %swap3A_18], %add3A_16 {strides = array<i32>} : memref<2048x128xf32, #tpu.memory_space<vmem>>, vector<2048x128xf32>,
    return
  }
  func.func @transform_0(%arg0: i32) -> (i32, i32) {
    %c0_i32 = arith.constant 0 : i32
    %c0_i32_0 = arith.constant 0 : i32
    return %arg0, %c0_i32 : i32, i32
  }
  func.func @transform_1(%arg0: i32) -> (i32, i32) {
    %c0_i32 = arith.constant 0 : i32
    %c0_i32_0 = arith.constant 0 : i32
    %c0_i32_1 = arith.constant 0 : i32
    return %c0_i32, %c0_i32_0 : i32, i32
  }
  func.func @transform_2(%arg0: i32) -> (i32, i32) {
    %c0_i32 = arith.constant 0 : i32
    %c0_i32_0 = arith.constant 0 : i32
    %c0_i32_1 = arith.constant 0 : i32
    return %c0_i32, %c0_i32_0 : i32, i32
  }
  func.func @transform_3(%arg0: i32) -> (i32, i32) {
    %c0_i32 = arith.constant 0 : i32
    %c0_i32_0 = arith.constant 0 : i32
    %c0_i32_1 = arith.constant 0 : i32
    return %c0_i32, %c0_i32_0 : i32, i32
  }
  func.func @transform_4(%arg0: i32) -> (i32, i32) {
    %c0_i32 = arith.constant 0 : i32
    %c0_i32_0 = arith.constant 0 : i32
    return %arg0, %c0_i32 : i32, i32
  }
  func.func @transform_5(%arg0: i32) -> (i32, i32) {
    %c0_i32 = arith.constant 0 : i32
    %c0_i32_0 = arith.constant 0 : i32
    return %arg0, %c0_i32 : i32, i32
  }
}

module attributes {stable_mosaic.version = 14 : i64} {
  func.func @_epilogue1_body(%arg0: i32, %arg1: memref<2x2048x128xf32, #tpu.memory_space<vmem>>, %arg2: memref<32x2048xf32, #tpu.memory_space<vmem>>, %arg3: memref<2048x128xf32, #tpu.memory_space<vmem>>, %arg4: memref<1x128xf32, #tpu.memory_space<vmem>>, %arg5: memref<1x128xf32, #tpu.memory_space<vmem>>, %arg6: memref<128x128xf32, #tpu.memory_space<vmem>>, %arg7: memref<128x128xf32, #tpu.memory_space<vmem>>, %arg8: memref<1x128xf32, #tpu.memory_space<vmem>>, %arg9: memref<2048x128xf32, #tpu.memory_space<vmem>>, %arg10: memref<2048x128xf32, #tpu.memory_space<vmem>>) attributes {dimension_semantics = [#tpu.dimension_semantics<arbitrary>], iteration_bounds = array<i64: 5>, scalar_prefetch = 0 : i64, scratch_operands = 0 : i64, tpu.core_type = #tpu.core_type<tc>, window_params = [{transform_indices = @transform_0, window_bounds = array<i64: 2, 2048, 128>}, {transform_indices = @transform_1, window_bounds = array<i64: 32, 2048>}, {transform_indices = @transform_2, window_bounds = array<i64: 2048, 128>}, {pipeline_mode = #tpu.pipeline_mode<synchronous>, transform_indices = @transform_3, window_bounds = array<i64: 1, 128>}, {pipeline_mode = #tpu.pipeline_mode<synchronous>, transform_indices = @transform_4, window_bounds = array<i64: 1, 128>}, {pipeline_mode = #tpu.pipeline_mode<synchronous>, transform_indices = @transform_5, window_bounds = array<i64: 128, 128>}, {pipeline_mode = #tpu.pipeline_mode<synchronous>, transform_indices = @transform_6, window_bounds = array<i64: 128, 128>}, {pipeline_mode = #tpu.pipeline_mode<synchronous>, transform_indices = @transform_7, window_bounds = array<i64: 1, 128>}, {transform_indices = @transform_8, window_bounds = array<i64: 2048, 128>}, {transform_indices = @transform_9, window_bounds = array<i64: 2048, 128>}]} {
    %get3A = arith.constant 0 : index
    %get3A_0 = arith.constant 0 : index
    %get3A_1 = arith.constant 0 : index
    %get3A_2 = vector.load %arg1[%get3A, %get3A_0, %get3A_1] : memref<2x2048x128xf32, #tpu.memory_space<vmem>>, vector<1x2048x128xf32>
    %get3A_3 = vector.shape_cast %get3A_2 : vector<1x2048x128xf32> to vector<2048x128xf32>
    %get3A_4 = arith.constant 1 : index
    %get3A_5 = arith.constant 0 : index
    %get3A_6 = arith.constant 0 : index
    %get3A_7 = vector.load %arg1[%get3A_4, %get3A_5, %get3A_6] : memref<2x2048x128xf32, #tpu.memory_space<vmem>>, vector<1x2048x128xf32>
    %get3A_8 = vector.shape_cast %get3A_7 : vector<1x2048x128xf32> to vector<2048x128xf32>
    %add3A = arith.addf %get3A_3, %get3A_8 : vector<2048x128xf32>
    %get3A_9 = arith.constant 0 : index
    %get3A_10 = arith.constant 0 : index
    %get3A_11 = vector.load %arg2[%get3A_9, %get3A_10] : memref<32x2048xf32, #tpu.memory_space<vmem>>, vector<32x2048xf32>
    %broadcast_in_dim3A = arith.constant 1.000000e+00 : f32
    %broadcast_in_dim3A_12 = vector.broadcast %broadcast_in_dim3A : f32 to vector<32x1xf32>
    %dot_general3A = arith.constant dense<0.000000e+00> : vector<2048x1xf32>
    %dot_general3A_13 = tpu.matmul %get3A_11, %broadcast_in_dim3A_12, %dot_general3A {dimension_numbers = #tpu.dot_dimension_numbers<[0], [0], [1], [1], [0, 1, 1, 1], [], []>, transpose_lhs_hint = false} : vector<32x2048xf32>, vector<32x1xf32>, vector<2048x1xf32> -> vector<2048x1xf32>
    %jit3A = arith.constant 1.000000e+00 : f32
    %max3A = vector.broadcast %jit3A : f32 to vector<2048x1xf32>
    %max3A_14 = arith.maximumf %max3A, %dot_general3A_13 : vector<2048x1xf32>
    %div3A = vector.broadcast %max3A_14 : vector<2048x1xf32> to vector<2048x128xf32>
    %div3A_15 = arith.divf %add3A, %div3A : vector<2048x128xf32>
    %get3A_16 = arith.constant 0 : index
    %get3A_17 = arith.constant 0 : index
    %get3A_18 = vector.load %arg3[%get3A_16, %get3A_17] : memref<2048x128xf32, #tpu.memory_space<vmem>>, vector<2048x128xf32>
    %add3A_19 = arith.addf %div3A_15, %get3A_18 : vector<2048x128xf32>
    %mul3A = arith.constant 0.999994993 : f32
    %mul3A_20 = vector.broadcast %mul3A : f32 to vector<2048x128xf32>
    %mul3A_21 = arith.mulf %add3A_19, %mul3A_20 : vector<2048x128xf32>
    %get3A_22 = arith.constant 0 : index
    %get3A_23 = arith.constant 0 : index
    %get3A_24 = vector.load %arg4[%get3A_22, %get3A_23] : memref<1x128xf32, #tpu.memory_space<vmem>>, vector<1x128xf32>
    %mul3A_25 = vector.broadcast %get3A_24 : vector<1x128xf32> to vector<2048x128xf32>
    %mul3A_26 = arith.mulf %mul3A_21, %mul3A_25 : vector<2048x128xf32>
    %get3A_27 = arith.constant 0 : index
    %get3A_28 = arith.constant 0 : index
    %get3A_29 = vector.load %arg5[%get3A_27, %get3A_28] : memref<1x128xf32, #tpu.memory_space<vmem>>, vector<1x128xf32>
    %add3A_30 = vector.broadcast %get3A_29 : vector<1x128xf32> to vector<2048x128xf32>
    %add3A_31 = arith.addf %mul3A_26, %add3A_30 : vector<2048x128xf32>
    %max3A_32 = arith.constant 0.000000e+00 : f32
    %max3A_33 = vector.broadcast %max3A_32 : f32 to vector<2048x128xf32>
    %max3A_34 = arith.maximumf %add3A_31, %max3A_33 : vector<2048x128xf32>
    %get3A_35 = arith.constant 0 : index
    %get3A_36 = arith.constant 0 : index
    %get3A_37 = vector.load %arg6[%get3A_35, %get3A_36] : memref<128x128xf32, #tpu.memory_space<vmem>>, vector<128x128xf32>
    %dot_general3A_38 = arith.constant dense<0.000000e+00> : vector<2048x128xf32>
    %dot_general3A_39 = tpu.matmul %max3A_34, %get3A_37, %dot_general3A_38 {dimension_numbers = #tpu.dot_dimension_numbers<[1], [1], [0], [0], [0, 0, 1, 0], [], []>, transpose_lhs_hint = false} : vector<2048x128xf32>, vector<128x128xf32>, vector<2048x128xf32> -> vector<2048x128xf32>
    %swap3A = arith.constant 0 : index
    %swap3A_40 = arith.constant 0 : index
    %swap3A_41 = vector.load %arg9[%swap3A, %swap3A_40] : memref<2048x128xf32, #tpu.memory_space<vmem>>, vector<2048x128xf32>
    tpu.vector_store %arg9[%swap3A, %swap3A_40], %dot_general3A_39 {strides = array<i32>} : memref<2048x128xf32, #tpu.memory_space<vmem>>, vector<2048x128xf32>,
    %get3A_42 = arith.constant 0 : index
    %get3A_43 = arith.constant 0 : index
    %get3A_44 = vector.load %arg7[%get3A_42, %get3A_43] : memref<128x128xf32, #tpu.memory_space<vmem>>, vector<128x128xf32>
    %dot_general3A_45 = arith.constant dense<0.000000e+00> : vector<2048x128xf32>
    %dot_general3A_46 = tpu.matmul %max3A_34, %get3A_44, %dot_general3A_45 {dimension_numbers = #tpu.dot_dimension_numbers<[1], [1], [0], [0], [0, 0, 1, 0], [], []>, transpose_lhs_hint = false} : vector<2048x128xf32>, vector<128x128xf32>, vector<2048x128xf32> -> vector<2048x128xf32>
    %get3A_47 = arith.constant 0 : index
    %get3A_48 = arith.constant 0 : index
    %get3A_49 = vector.load %arg8[%get3A_47, %get3A_48] : memref<1x128xf32, #tpu.memory_space<vmem>>, vector<1x128xf32>
    %add3A_50 = vector.broadcast %get3A_49 : vector<1x128xf32> to vector<2048x128xf32>
    %add3A_51 = arith.addf %dot_general3A_46, %add3A_50 : vector<2048x128xf32>
    %swap3A_52 = arith.constant 0 : index
    %swap3A_53 = arith.constant 0 : index
    %swap3A_54 = vector.load %arg10[%swap3A_52, %swap3A_53] : memref<2048x128xf32, #tpu.memory_space<vmem>>, vector<2048x128xf32>
    tpu.vector_store %arg10[%swap3A_52, %swap3A_53], %add3A_51 {strides = array<i32>} : memref<2048x128xf32, #tpu.memory_space<vmem>>, vector<2048x128xf32>,
    return
  }
  func.func @transform_0(%arg0: i32) -> (i32, i32, i32) {
    %c0_i32 = arith.constant 0 : i32
    %c0_i32_0 = arith.constant 0 : i32
    %c0_i32_1 = arith.constant 0 : i32
    return %c0_i32, %arg0, %c0_i32_0 : i32, i32, i32
  }
  func.func @transform_1(%arg0: i32) -> (i32, i32) {
    %c0_i32 = arith.constant 0 : i32
    %c0_i32_0 = arith.constant 0 : i32
    return %c0_i32, %arg0 : i32, i32
  }
  func.func @transform_2(%arg0: i32) -> (i32, i32) {
    %c0_i32 = arith.constant 0 : i32
    %c0_i32_0 = arith.constant 0 : i32
    return %arg0, %c0_i32 : i32, i32
  }
  func.func @transform_3(%arg0: i32) -> (i32, i32) {
    %c0_i32 = arith.constant 0 : i32
    %c0_i32_0 = arith.constant 0 : i32
    %c0_i32_1 = arith.constant 0 : i32
    return %c0_i32, %c0_i32_0 : i32, i32
  }
  func.func @transform_4(%arg0: i32) -> (i32, i32) {
    %c0_i32 = arith.constant 0 : i32
    %c0_i32_0 = arith.constant 0 : i32
    %c0_i32_1 = arith.constant 0 : i32
    return %c0_i32, %c0_i32_0 : i32, i32
  }
  func.func @transform_5(%arg0: i32) -> (i32, i32) {
    %c0_i32 = arith.constant 0 : i32
    %c0_i32_0 = arith.constant 0 : i32
    %c0_i32_1 = arith.constant 0 : i32
    return %c0_i32, %c0_i32_0 : i32, i32
  }
  func.func @transform_6(%arg0: i32) -> (i32, i32) {
    %c0_i32 = arith.constant 0 : i32
    %c0_i32_0 = arith.constant 0 : i32
    %c0_i32_1 = arith.constant 0 : i32
    return %c0_i32, %c0_i32_0 : i32, i32
  }
  func.func @transform_7(%arg0: i32) -> (i32, i32) {
    %c0_i32 = arith.constant 0 : i32
    %c0_i32_0 = arith.constant 0 : i32
    %c0_i32_1 = arith.constant 0 : i32
    return %c0_i32, %c0_i32_0 : i32, i32
  }
  func.func @transform_8(%arg0: i32) -> (i32, i32) {
    %c0_i32 = arith.constant 0 : i32
    %c0_i32_0 = arith.constant 0 : i32
    return %arg0, %c0_i32 : i32, i32
  }
  func.func @transform_9(%arg0: i32) -> (i32, i32) {
    %c0_i32 = arith.constant 0 : i32
    %c0_i32_0 = arith.constant 0 : i32
    return %arg0, %c0_i32 : i32, i32
  }
}

module attributes {stable_mosaic.version = 14 : i64} {
  func.func @_epilogue2_body(%arg0: i32, %arg1: memref<2x2048x128xf32, #tpu.memory_space<vmem>>, %arg2: memref<32x2048xf32, #tpu.memory_space<vmem>>, %arg3: memref<2048x128xf32, #tpu.memory_space<vmem>>, %arg4: memref<2048x128xf32, #tpu.memory_space<vmem>>) attributes {dimension_semantics = [#tpu.dimension_semantics<arbitrary>], iteration_bounds = array<i64: 5>, scalar_prefetch = 0 : i64, scratch_operands = 0 : i64, tpu.core_type = #tpu.core_type<tc>, window_params = [{transform_indices = @transform_0, window_bounds = array<i64: 2, 2048, 128>}, {transform_indices = @transform_1, window_bounds = array<i64: 32, 2048>}, {transform_indices = @transform_2, window_bounds = array<i64: 2048, 128>}, {transform_indices = @transform_3, window_bounds = array<i64: 2048, 128>}]} {
    %get3A = arith.constant 0 : index
    %get3A_0 = arith.constant 0 : index
    %get3A_1 = arith.constant 0 : index
    %get3A_2 = vector.load %arg1[%get3A, %get3A_0, %get3A_1] : memref<2x2048x128xf32, #tpu.memory_space<vmem>>, vector<1x2048x128xf32>
    %get3A_3 = vector.shape_cast %get3A_2 : vector<1x2048x128xf32> to vector<2048x128xf32>
    %get3A_4 = arith.constant 1 : index
    %get3A_5 = arith.constant 0 : index
    %get3A_6 = arith.constant 0 : index
    %get3A_7 = vector.load %arg1[%get3A_4, %get3A_5, %get3A_6] : memref<2x2048x128xf32, #tpu.memory_space<vmem>>, vector<1x2048x128xf32>
    %get3A_8 = vector.shape_cast %get3A_7 : vector<1x2048x128xf32> to vector<2048x128xf32>
    %add3A = arith.addf %get3A_3, %get3A_8 : vector<2048x128xf32>
    %get3A_9 = arith.constant 0 : index
    %get3A_10 = arith.constant 0 : index
    %get3A_11 = vector.load %arg2[%get3A_9, %get3A_10] : memref<32x2048xf32, #tpu.memory_space<vmem>>, vector<32x2048xf32>
    %broadcast_in_dim3A = arith.constant 1.000000e+00 : f32
    %broadcast_in_dim3A_12 = vector.broadcast %broadcast_in_dim3A : f32 to vector<32x1xf32>
    %dot_general3A = arith.constant dense<0.000000e+00> : vector<2048x1xf32>
    %dot_general3A_13 = tpu.matmul %get3A_11, %broadcast_in_dim3A_12, %dot_general3A {dimension_numbers = #tpu.dot_dimension_numbers<[0], [0], [1], [1], [0, 1, 1, 1], [], []>, transpose_lhs_hint = false} : vector<32x2048xf32>, vector<32x1xf32>, vector<2048x1xf32> -> vector<2048x1xf32>
    %jit3A = arith.constant 1.000000e+00 : f32
    %max3A = vector.broadcast %jit3A : f32 to vector<2048x1xf32>
    %max3A_14 = arith.maximumf %max3A, %dot_general3A_13 : vector<2048x1xf32>
    %div3A = vector.broadcast %max3A_14 : vector<2048x1xf32> to vector<2048x128xf32>
    %div3A_15 = arith.divf %add3A, %div3A : vector<2048x128xf32>
    %get3A_16 = arith.constant 0 : index
    %get3A_17 = arith.constant 0 : index
    %get3A_18 = vector.load %arg3[%get3A_16, %get3A_17] : memref<2048x128xf32, #tpu.memory_space<vmem>>, vector<2048x128xf32>
    %add3A_19 = arith.addf %div3A_15, %get3A_18 : vector<2048x128xf32>
    %swap3A = arith.constant 0 : index
    %swap3A_20 = arith.constant 0 : index
    %swap3A_21 = vector.load %arg4[%swap3A, %swap3A_20] : memref<2048x128xf32, #tpu.memory_space<vmem>>, vector<2048x128xf32>
    tpu.vector_store %arg4[%swap3A, %swap3A_20], %add3A_19 {strides = array<i32>} : memref<2048x128xf32, #tpu.memory_space<vmem>>, vector<2048x128xf32>,
    return
  }
  func.func @transform_0(%arg0: i32) -> (i32, i32, i32) {
    %c0_i32 = arith.constant 0 : i32
    %c0_i32_0 = arith.constant 0 : i32
    %c0_i32_1 = arith.constant 0 : i32
    return %c0_i32, %arg0, %c0_i32_0 : i32, i32, i32
  }
  func.func @transform_1(%arg0: i32) -> (i32, i32) {
    %c0_i32 = arith.constant 0 : i32
    %c0_i32_0 = arith.constant 0 : i32
    return %c0_i32, %arg0 : i32, i32
  }
  func.func @transform_2(%arg0: i32) -> (i32, i32) {
    %c0_i32 = arith.constant 0 : i32
    %c0_i32_0 = arith.constant 0 : i32
    return %arg0, %c0_i32 : i32, i32
  }
  func.func @transform_3(%arg0: i32) -> (i32, i32) {
    %c0_i32 = arith.constant 0 : i32
    %c0_i32_0 = arith.constant 0 : i32
    return %arg0, %c0_i32 : i32, i32
  }
}

</mosaic_0001>

<sc_bundles>
// kernel: kernel.11.cloned.1.call-start
scs
__scs_entry_jumppad:
0x0: {  	(pc) =	sbr.rel $0x88, $3  }
0x1: {  	(tag) =	ssettag $0x0;
	lr =	simm.s32 $0x1  }
0x2: {  	[smem:$0x3F97] =	sst lr;
	_ =	strace $0xD0000000  }
0x3: {  	_ = 	snop  }
0x4: {  	_ = 	snop  }
0x5: {  	_ = 	snop  }
0x6: {  	_ = 	snop  }
0x7: {  	_ = 	snop  }
__scs_overlays_trampoline_lowered:
0x8: {  	[smem:$0x3FA6] =	sst s0  }
0x9: {  	[smem:$0x3FA7] =	sst s1  }
0xa: {  	[smem:$0x3FA8] =	sst s2  }
0xb: {  	[smem:$0x3FA9] =	sst s3  }
0xc: {  	[smem:$0x3FAA] =	sst s4  }
0xd: {  	[smem:$0x3FAB] =	sst s5  }
0xe: {  	[smem:$0x3FAC] =	sst s6  }
0xf: {  	[smem:$0x3FAD] =	sst s7  }
0x10: {  	[smem:$0x3FAE] =	sst s8  }
0x11: {  	[smem:$0x3FAF] =	sst s9;
	s0 =	simm.s32 @!p0 $0x0  }
0x12: {  	s1 =	sld [smem:$0x3F95];
	s0 =	simm.s32 @p0 $0x1  }
0x13: {  	[smem:$0x3FB0] =	sst s0;
	s0 =	simm.s32 @!p1 $0x0  }
0x14: {  	s2 =	sld [smem:$0x3F94];
	s0 =	simm.s32 @p1 $0x1  }
0x15: {  	[smem:$0x3FB1] =	sst s0;
	s0 =	simm.s32 @!p2 $0x0  }
0x16: {  	s3 =	sld [smem:$0x3FDB];
	s0 =	simm.s32 @p2 $0x1  }
0x17: {  	s4 =	simm.s32 $0x1BF5;
	[smem:$0x3FB3] =	sst s0  }
0x18: {  	s0 =	sld [smem:$0x3F96];
	_ =	swait.ge [sflag:s4], $0x0  }
0x19: {  	s7 =	sld [smem:$0x3F97]  }
0x1a: {  	s8 =	sadd.s32 $0xFFFFE003, lr  }
0x1b: {  	s9 =	sadd.s32 $0xFFFFFEF7, lr;
	s5 =	simm.s32 $0xFFFFFFFF;
	p2 =	slt.u32 s8, $0xFFFFF086  }
0x1c: {  	p1 =	slt.u32 s9, $0xF7A;
	s5 =	simm.s32 @!p2 $0x0  }
0x1d: {  	s5 =	simm.s32 @p1 $0x1;
	p0 =	seq.s32 s7, s2  }
0x1e: {  	s7 =	smul.u32 @!p0 $0xF7A, s2;
	p2 =	seq.s32 @!p0 s5, $0x0  }
0x1f: {  	s9 =	smul.u32 $0xF7A, s1;
	s8 =	simm.s32 @!p0 $0x1BF5;
	p2 =	por !p2, p0  }
0x20: {  	[sflag:s8] =	ssyncset.s32 @!p0 $0xFFFFF086;
	s6 =	sadd.s32 @!p0 s3, s7;
	s7 =	simm.s32 @!p0 $0x108  }
0x21: {  	s3 =	sadd.s32 s3, s9;
	s6 =	sadd.s32 @!p0 $0x88, s6;
	s7 =	simm.s32 @p2 $0x1082  }
0x22: {  	[simem:s7], [sflag:s8] =	dma.local @!p0 [hbm:s6], $0xF7A  }
0x23: {  	s9 =	sor.u32 $0xD0000000, s2;
	s6 =	simm.s32 $0x108;
	_ =	swait.ge @!p0 [sflag:s8], $0x0  }
0x24: {  	s3 =	sadd.s32 $0x88, s3;
	s6 =	simm.s32 @!p1 $0x1082;
	[sflag:s4] =	ssyncset.s32 $0xFFFFF086  }
0x25: {  	[simem:s6], [sflag:s4] =	dma.local [hbm:s3], $0xF7A  }
0x26: {  	[smem:$0x3F97] =	sst s1;
	(tag) =	ssettag s2;
	_ =	strace s9  }
0x27: {  	s1 =	sld [smem:$0x3FA7]  }
0x28: {  	s2 =	sld [smem:$0x3FA8]  }
0x29: {  	s4 =	sld [smem:$0x3FAA]  }
0x2a: {  	p0 =	seq.s32 s5, $0x0;
	s5 =	sld [smem:$0x3FAB]  }
0x2b: {  	s6 =	sld [smem:$0x3FAC]  }
0x2c: {  	s7 =	sld [smem:$0x3FAD]  }
0x2d: {  	s3 =	simm.s32 $0x108;
	s8 =	sld [smem:$0x3FAE]  }
0x2e: {  	s3 =	simm.s32 @!p0 $0x1082;
	s9 =	sld [smem:$0x3FAF]  }
0x2f: {  	lr =	sadd.s32 s0, s3;
	s0 =	sld [smem:$0x3FA6]  }
0x30: {  	s3 =	sld [smem:$0x3FA9]  }
0x31: {  	[smem:$0x3FB2] =	sst s10  }
0x32: {  	s10 =	sld [smem:$0x3FB0];
	_ =	sdelay $0x3  }
0x33: {  	p0 =	seq.s32 s10, $0x1;
	s10 =	sld [smem:$0x3FB2];
	_ =	sdelay $0x3  }
0x34: {  	[smem:$0x3FB2] =	sst s10  }
0x35: {  	s10 =	sld [smem:$0x3FB1];
	_ =	sdelay $0x3  }
0x36: {  	p1 =	seq.s32 s10, $0x1;
	s10 =	sld [smem:$0x3FB2];
	_ =	sdelay $0x3  }
0x37: {  	[smem:$0x3FB2] =	sst s10  }
0x38: {  	s10 =	sld [smem:$0x3FB3]  }
0x39: {  	_ = 	snop;
	(pc) =	sbr.ind lr, $3  }
0x3a: {  	_ = 	snop  }
0x3b: {  	_ = 	snop  }
0x3c: {  	p2 =	seq.s32 s10, $0x1;
	s10 =	sld [smem:$0x3FB2]  }
0x3d: {  	_ =	shalt  }
0x3e: {  	_ =	shalt  }
0x3f: {  	_ =	shalt  }
0x40: {  	_ =	shalt  }
0x41: {  	_ =	shalt  }
0x42: {  	_ =	shalt  }
0x43: {  	_ =	shalt  }
0x44: {  	_ =	shalt  }
0x45: {  	_ =	shalt  }
0x46: {  	_ =	shalt  }
0x47: {  	_ =	shalt  }
0x48: {  	_ =	shalt  }
0x49: {  	_ =	shalt  }
0x4a: {  	_ =	shalt  }
0x4b: {  	_ =	shalt  }
0x4c: {  	_ =	shalt  }
0x4d: {  	_ =	shalt  }
0x4e: {  	_ =	shalt  }
0x4f: {  	_ =	shalt  }
0x50: {  	_ =	shalt  }
0x51: {  	_ =	shalt  }
0x52: {  	_ =	shalt  }
0x53: {  	_ =	shalt  }
0x54: {  	_ =	shalt  }
0x55: {  	_ =	shalt  }
0x56: {  	_ =	shalt  }
0x57: {  	_ =	shalt  }
0x58: {  	_ =	shalt  }
0x59: {  	_ =	shalt  }
0x5a: {  	_ =	shalt  }
0x5b: {  	_ =	shalt  }
0x5c: {  	_ =	shalt  }
0x5d: {  	_ =	shalt  }
0x5e: {  	_ =	shalt  }
0x5f: {  	_ =	shalt  }
0x60: {  	_ =	shalt  }
0x61: {  	_ =	shalt  }
0x62: {  	_ =	shalt  }
0x63: {  	_ =	shalt  }
0x64: {  	_ =	shalt  }
0x65: {  	_ =	shalt  }
0x66: {  	_ =	shalt  }
0x67: {  	_ =	shalt  }
0x68: {  	_ =	shalt  }
0x69: {  	_ =	shalt  }
0x6a: {  	_ =	shalt  }
0x6b: {  	_ =	shalt  }
0x6c: {  	_ =	shalt  }
0x6d: {  	_ =	shalt  }
0x6e: {  	_ =	shalt  }
0x6f: {  	_ =	shalt  }
0x70: {  	_ =	shalt  }
0x71: {  	_ =	shalt  }
0x72: {  	_ =	shalt  }
0x73: {  	_ =	shalt  }
0x74: {  	_ =	shalt  }
0x75: {  	_ =	shalt  }
0x76: {  	_ =	shalt  }
0x77: {  	_ =	shalt  }
0x78: {  	_ =	shalt  }
0x79: {  	_ =	shalt  }
0x7a: {  	_ =	shalt  }
0x7b: {  	_ =	shalt  }
0x7c: {  	_ =	shalt  }
0x7d: {  	_ =	shalt  }
0x7e: {  	_ =	shalt  }
0x7f: {  	_ =	shalt  }
0x80: {  	_ =	shalt  }
0x81: {  	_ =	shalt  }
0x82: {  	_ =	shalt  }
0x83: {  	_ =	shalt  }
0x84: {  	_ =	shalt  }
0x85: {  	_ =	shalt  }
0x86: {  	_ =	shalt  }
0x87: {  	_ =	shalt  }
.Lfunc_end0:
.L_simem_size_0:
called_computation.1_lowered:
.L_overlay_start_0:
0x88: {  	s2 =	sld [smem:$0x3FD9]  }
0x89: {  	s3 =	sld [smem:$0x3FFE];
	_ =	sdelay $0x1  }
0x8a: {  	s1 =	srdreg.scid  }
0x8b: {  	s0 =	sand.u32 $0x1, s1  }
0x8c: {  	s17 =	sshll.u32 s0, $0xA;
	s2 =	sadd.s32 s3, s2  }
0x8d: {  	s2 =	sadd.s32 s2, s17  }
0x8e: {  	[smem:$0x3FBE] =	sst s2  }
0x8f: {  	_ = 	snop  }
0x90: {  	s18 =	sld [smem:$0x3FD0];
	(tm) =	ssettm $0x1  }
0x91: {  	s19 =	sld [smem:$0x3FFB];
	_ =	sdelay $0x3  }
0x92: {  	_ =	strace s19  }
0x93: {  	s2 =	sld [smem:$0x3FFC];
	_ =	sdelay $0x3  }
0x94: {  	_ =	strace s2  }
0x95: {  	s2 =	sld [smem:$0x3FFD];
	_ =	sdelay $0x3  }
0x96: {  	_ =	strace s2  }
0x97: {  	_ =	strace $0x8FFFFFFF  }
0x98: {  	s20 =	sld [smem:$0x3FDB];
	_ =	sdelay $0x1  }
0x99: {  	s4 =	simm.s32 $_scs_section_size  }
0x9a: {  	s5 =	simm.s32 $_size__tile_overlayer_lowered;
	s6 =	simm.s32 $_tile_overlayer_lowered  }
0x9b: {  	s7 =	simm.s32 $0x1BFF;
	s21 =	sshll.u32 s6, $0x1;
	s4 =	sadd.s32 s4, s20  }
0x9c: {  	s22 =	simm.s32 $0x0;
	s5 =	sshll.u32 s5, $0x1;
	s6 =	sadd.s32 s21, s4  }
0x9d: {  	[timem:s22], [sflag:s7] =	dma.local [hbm:s6], s5  }
0x9e: {  	_ =	swait.ge [sflag:s7], s5  }
0x9f: {  	s5 =	ssub.s32 $0x0, s5;
	[sflag:s7] =	ssyncset.done $0x0  }
0xa0: {  	[sflag:s7] =	ssyncadd.s32 s5;
	_ =	sdelay $0x1  }
0xa1: {  	s23 =	simm.s32 $0x1B8B  }
0xa2: {  	_ =	swait.ge [sflag:s23], $0x1  }
0xa3: {  	[sflag:s23] =	ssyncset.done $0x0  }
0xa4: {  	[sflag:s23] =	ssyncadd.s32 $0xFFFFFFFF  }
0xa5: {  	s5 =	sld [smem:$0x0]  }
0xa6: {  	s6 =	sand.u32 $0xFFFFFFFE, s1  }
0xa7: {  	p0 =	sne.s32 s1, s6  }
0xa8: {  	s6 =	sshll.u32 @p0 s6, $0xE  }
0xa9: {  	s6 =	sadd.s32 @p0 $0x11B8D, s6;
	s7 =	sshll.u32 @p0 s5, $0x11  }
0xaa: {  	s6 =	sor.u32 @p0 s7, s6  }
0xab: {  	[sflag:s6] =	ssyncadd.remote.s32 @p0 $0x1;
	_ =	sdelay $0x1  }
0xac: {  	s6 =	simm.s32 @p0 $0x1B8D  }
0xad: {  	_ =	swait.eq @p0 [sflag:s6], $0x1  }
0xae: {  	[sflag:s6] =	ssyncadd.s32 @p0 $0xFFFFFFFF  }
0xaf: {  	s7 =	sshll.u32 @!p0 s1, $0xE  }
0xb0: {  	s7 =	sor.u32 @!p0 $0x4000, s7;
	s6 =	simm.s32 @!p0 $0x1B8D  }
0xb1: {  	s5 =	sshll.u32 @!p0 s5, $0x11;
	s7 =	sadd.s32 @!p0 $0x11B8D, s7;
	_ =	swait.eq @!p0 [sflag:s6], $0x1  }
0xb2: {  	s5 =	sor.u32 @!p0 s5, s7;
	[sflag:s6] =	ssyncadd.s32 @!p0 $0xFFFFFFFF  }
0xb3: {  	s25 =	simm.s32 $0x1B8E;
	s24 =	sld [smem:$0x3FFE];
	[sflag:s5] =	ssyncadd.remote.s32 @!p0 $0x1  }
0xb4: {  	s26 =	simm.s32 $execute0_lowered;
	[smem:$0x3FD2] =	sst s25  }
0xb5: {  	s6 =	sshll.u32 s26, $0x1;
	_ =	strace $0x80000049;
	[dreg:$0x1] =	wrdreg $0xFFFFFFFF  }
0xb6: {  	s28 =	simm.s32 $_size_execute0_lowered;
	s4 =	sadd.s32 s4, s6;
	[dreg:$0x0] =	wrdreg $0x0  }
0xb7: {  	s6 =	sshll.u32 s28, $0x1;
	[dreg:$0x2] =	wrdreg s4  }
0xb8: {  	[dreg:$0x3] =	wrdreg s6  }
0xb9: {  	[dreg:$0x4] =	wrdreg $0xC0  }
0xba: {  	_ =	task [dreg:s22], $0x5FFFF  }
0xbb: {  	[dreg:$0x1] =	wrdreg $0xFFFFFFFF  }
0xbc: {  	[dreg:$0x0] =	wrdreg $0x60  }
0xbd: {  	[dreg:$0x2] =	wrdreg s18  }
0xbe: {  	[dreg:$0x3] =	wrdreg s24  }
0xbf: {  	[dreg:$0x4] =	wrdreg $0xB0000  }
0xc0: {  	[dreg:$0x5] =	wrdreg $0xA  }
0xc1: {  	_ =	task.clear_ibuf [dreg:s22], $0x6FFFF;
	_ =	strace $0x90000049  }
0xc2: {  	s29 =	simm.s32 $0xA;
	_ =	strace $0x8000004B  }
0xc3: {  	_ =	swait.ge [sflag:s29], $0x1  }
0xc4: {  	[sflag:s29] =	ssyncadd.s32 $0xFFFFFFFF  }
0xc5: {  	_ =	strace $0x9000004B  }
0xc6: {  	_ =	sfence  }
0xc7: {  	s30 =	sld [smem:$0x0];
	_ =	sdelay $0x2  }
0xc8: {  	s31 =	sshll.u32 s1, $0xD;
	s1 =	sshrl.u32 s1, $0x2  }
0xc9: {  	s4 =	sand.u32 $0x4000, s31;
	s1 =	sadd.s32 s1, s30  }
0xca: {  	s0 =	sor.u32 s4, s0;
	s1 =	sshll.u32 s1, $0x11  }
0xcb: {  	s0 =	sor.u32 s1, s0  }
0xcc: {  	s0 =	sadd.s32 $0x8F2B, s0  }
0xcd: {  	[sflag:s0] =	ssyncadd.remote.s32 $0x1  }
0xce: {  	_ =	sfence.sel $0xFFFF  }
0xcf: {  	[dreg:$0x0] =	wrdreg $0xFFFFFFFF;
	(pc) =	sbr.abs _section_cstart, $3  }
0xd0: {  	[dreg:$0x1] =	wrdreg $0xFFFFFFFF  }
0xd1: {  	_ =	task.clear_ibuf [dreg:s22], $0x2FFFF;
	_ =	strace $0x9FFFFFFF  }
0xd2: {  	(tm) =	ssettm $0x7FFFFFFF  }
0xd3: {  	_ =	shalt  }
tec
execute0_lowered:
.L_overlay_start_1:
0x0: {  	(tag) =	ssettag $0x1  }
0x1: {  	s1 =	rddreg [dreg:$0x0]  }
0x2: {  	s6 =	rddreg [dreg:$0x1]  }
0x3: {  	s0 =	srdreg.scid;
	s3 =	rddreg [dreg:$0x2]  }
0x4: {  	s4 =	simm.s32 $0x0;
	s19 =	simm.s32 $0x9000;
	s20 =	simm.s32 $0x1  }
0x5: {  	s21 =	simm.s32 $0x2800;
	s22 =	simm.s32 $0x80;
	s5 =	sand.u32 $0x1, s0  }
0x6: {  	s23 =	simm.s32 $0x5000;
	s0 =	stileid.u32;
	s8 =	smul.u32 $0x140000, s5  }
0x7: {  	[smem:$0x7FF] =	sst s4;
	s2 =	sshll.u32 s5, $0x4;
	s9 =	smul.u32 $0x14000, s0  }
0x8: {  	s10 =	smul.u32 $0x50000, s0;
	s5 =	ssub.s32 $0x2, s5;
	s2 =	sor.u32 s0, s2  }
0x9: {  	s31 =	sshrl.u32 s5, $0x1;
	s7 =	smul.u32 $0x500, s2;
	s2 =	rddreg [dreg:$0x3]  }
0xa: {  	_ =	strace $0x8000004A;
	s8 =	sadd.s32 s9, s8;
	s10 =	sshrl.u32 s10, $0x2  }
0xb: {  	s9 =	ssub.s32 s5, s31;
	s8 =	sshrl.u32 s8, $0x3;
	s5 =	sadd.s32 s10, s3  }
0xc: {  	s9 =	smax.u32 s9, $0x1;
	s7 =	sadd.s32 s7, s6;
	s8 =	sadd.s32 s8, s6  }
0xd: {  	s10 =	sadd.s32 $0x2000, s5;
	s11 =	sadd.s32 $0x4000, s5;
	s12 =	sadd.s32 $0x6000, s5  }
0xe: {  	s13 =	sadd.s32 $0x8000, s5;
	s14 =	sadd.s32 $0xA000, s5;
	s15 =	sadd.s32 $0xC000, s5  }
0xf: {  	s16 =	sadd.s32 $0xE000, s5;
	s17 =	sadd.s32 $0x10000, s5;
	s18 =	sadd.s32 $0x12000, s5  }
0x10: {  	v0 =	vimm.f32 $0.0e+00;
	s6 =	sadd.s32 $0x16800, s7;
	s7 =	sadd.s32 $0x2800, s7;
	s8 =	sadd.s32 $0x20800, s8  }
.LBB2_1:
0x11: {  	s24 =	simm.s32 $0x0;
	s25 =	simm.s32 $0x200  }
.LBB2_2:
0x12: {  	p0 =	sne.s32 s25, $0x7E00;
	[tilespmem:s24+$0x9070] =	vst v0  }
0x13: {  	[tilespmem:s24+$0x9000] =	vst v0  }
0x14: {  	[tilespmem:s24+$0x9010] =	vst v0  }
.Ltmp0:
0x15: {  	[tilespmem:s24+$0x9020] =	vst v0;
	(pc) =	sbr.rel @p0 .LBB2_2-.Ltmp0, $4  }
0x16: {  	[tilespmem:s24+$0x9030] =	vst v0  }
0x17: {  	[tilespmem:s24+$0x9040] =	vst v0  }
0x18: {  	[tilespmem:s24+$0x9050] =	vst v0  }
0x19: {  	[tilespmem:s24+$0x9060] =	vst v0;
	s24 =	sshra.s32 s25, $0x2;
	s25 =	sadd.s32 $0x200, s25  }
0x1a: {  	[tilespmem:s24+$0x9070] =	vst v0  }
0x1b: {  	[tilespmem:s24+$0x9000] =	vst v0  }
0x1c: {  	[tilespmem:s24+$0x9010] =	vst v0  }
0x1d: {  	[tilespmem:s24+$0x9020] =	vst v0  }
0x1e: {  	[tilespmem:s24+$0x9030] =	vst v0  }
0x1f: {  	[tilespmem:s24+$0x9040] =	vst v0  }
0x20: {  	[tilespmem:s24+$0x9050] =	vst v0  }
0x21: {  	[tilespmem:s24+$0x9060] =	vst v0  }
0x22: {  	[spmem:s5] =	stream.linear.scatter [tilespmem:s19], [sflag:$0x1], $0x2000, $0x38;
	[tilespmem:$0x1F000] =	vst v63  }
0x23: {  	_ =	swait.ge [sflag:s20], $0x2000  }
0x24: {  	[sflag:s20] =	ssyncset.done $0x0  }
0x25: {  	[sflag:s20] =	ssyncadd.s32 $0xFFFFE000  }
0x26: {  	[spmem:s10] =	stream.linear.scatter [tilespmem:s19], [sflag:$0x1], $0x2000, $0x38;
	[tilespmem:$0x1F000] =	vst v63  }
0x27: {  	_ =	swait.ge [sflag:s20], $0x2000  }
0x28: {  	[sflag:s20] =	ssyncset.done $0x0  }
0x29: {  	[sflag:s20] =	ssyncadd.s32 $0xFFFFE000  }
0x2a: {  	[spmem:s11] =	stream.linear.scatter [tilespmem:s19], [sflag:$0x1], $0x2000, $0x38;
	[tilespmem:$0x1F000] =	vst v63  }
0x2b: {  	_ =	swait.ge [sflag:s20], $0x2000  }
0x2c: {  	[sflag:s20] =	ssyncset.done $0x0  }
0x2d: {  	[sflag:s20] =	ssyncadd.s32 $0xFFFFE000  }
0x2e: {  	[spmem:s12] =	stream.linear.scatter [tilespmem:s19], [sflag:$0x1], $0x2000, $0x38;
	[tilespmem:$0x1F000] =	vst v63  }
0x2f: {  	_ =	swait.ge [sflag:s20], $0x2000  }
0x30: {  	[sflag:s20] =	ssyncset.done $0x0  }
0x31: {  	[sflag:s20] =	ssyncadd.s32 $0xFFFFE000  }
0x32: {  	[spmem:s13] =	stream.linear.scatter [tilespmem:s19], [sflag:$0x1], $0x2000, $0x38;
	[tilespmem:$0x1F000] =	vst v63  }
0x33: {  	_ =	swait.ge [sflag:s20], $0x2000  }
0x34: {  	[sflag:s20] =	ssyncset.done $0x0  }
0x35: {  	[sflag:s20] =	ssyncadd.s32 $0xFFFFE000  }
0x36: {  	[spmem:s14] =	stream.linear.scatter [tilespmem:s19], [sflag:$0x1], $0x2000, $0x38;
	[tilespmem:$0x1F000] =	vst v63  }
0x37: {  	_ =	swait.ge [sflag:s20], $0x2000  }
0x38: {  	[sflag:s20] =	ssyncset.done $0x0  }
0x39: {  	[sflag:s20] =	ssyncadd.s32 $0xFFFFE000  }
0x3a: {  	[spmem:s15] =	stream.linear.scatter [tilespmem:s19], [sflag:$0x1], $0x2000, $0x38;
	[tilespmem:$0x1F000] =	vst v63  }
0x3b: {  	_ =	swait.ge [sflag:s20], $0x2000  }
0x3c: {  	[sflag:s20] =	ssyncset.done $0x0  }
0x3d: {  	[sflag:s20] =	ssyncadd.s32 $0xFFFFE000  }
0x3e: {  	[spmem:s16] =	stream.linear.scatter [tilespmem:s19], [sflag:$0x1], $0x2000, $0x38;
	[tilespmem:$0x1F000] =	vst v63  }
0x3f: {  	_ =	swait.ge [sflag:s20], $0x2000  }
0x40: {  	[sflag:s20] =	ssyncset.done $0x0  }
0x41: {  	[sflag:s20] =	ssyncadd.s32 $0xFFFFE000  }
0x42: {  	[spmem:s17] =	stream.linear.scatter [tilespmem:s19], [sflag:$0x1], $0x2000, $0x38;
	[tilespmem:$0x1F000] =	vst v63  }
0x43: {  	_ =	swait.ge [sflag:s20], $0x2000  }
0x44: {  	[sflag:s20] =	ssyncset.done $0x0  }
0x45: {  	[sflag:s20] =	ssyncadd.s32 $0xFFFFE000  }
0x46: {  	[spmem:s18] =	stream.linear.scatter [tilespmem:s19], [sflag:$0x1], $0x2000, $0x38;
	[tilespmem:$0x1F000] =	vst v63  }
0x47: {  	_ =	swait.ge [sflag:s20], $0x2000  }
0x48: {  	[sflag:s20] =	ssyncset.done $0x0  }
0x49: {  	s29 =	simm.s32 $0x0;
	[sflag:s20] =	ssyncadd.s32 $0xFFFFE000  }
0x4a: {  	[tilespmem:s29], [sflag:$0x1] =	stream.linear.gather [hbm4b:s6+s29], $0x2780, $0x38;
	[tilespmem:$0x1F000] =	vst v63  }
0x4b: {  	_ =	swait.ge [sflag:s20], $0x2780  }
0x4c: {  	[sflag:s20] =	ssyncset.done $0x0  }
0x4d: {  	[sflag:s20] =	ssyncadd.s32 $0xFFFFD880  }
0x4e: {  	[tilespmem:s21], [sflag:$0x1] =	stream.linear.gather [hbm4b:s7+s29], $0x2780, $0x38;
	[tilespmem:$0x1F000] =	vst v63  }
0x4f: {  	_ =	swait.ge [sflag:s20], $0x2780  }
0x50: {  	[sflag:s20] =	ssyncset.done $0x0  }
0x51: {  	[sflag:s20] =	ssyncadd.s32 $0xFFFFD880  }
0x52: {  	s30 =	simm.s32 $0x0;
	[bflag:$0x0] =	sbarrier.arrive $0xFFFF  }
0x53: {  	[tilespmem:s23], [sflag:$0x1] =	stream.indirect.gather [hbm4b:s1+s22], $0x80, s30, s22, $0xb8;
	[tilespmem:$0x1F000] =	vst v63  }
0x54: {  	_ =	swait.ge [sflag:s20], $0x4000  }
0x55: {  	[sflag:s20] =	ssyncset.done $0x0  }
0x56: {  	s31 =	simm.s32 $0x2800;
	[sflag:s20] =	ssyncadd.s32 $0xFFFFC000  }
0x57: {  	[spmem:s3] =	stream.indirect.scatter.add.f32 [tilespmem:s23], [sflag:$0x1], $0x80, s31, s22, $0xb8;
	[tilespmem:$0x1F000] =	vst v63  }
0x58: {  	_ =	swait.ge [sflag:s20], $0x4000  }
0x59: {  	s24 =	simm.s32 $0x200;
	s25 =	simm.s32 $0x400;
	[sflag:s20] =	ssyncset.done $0x0  }
.LBB2_4:
0x5a: {  	s26 =	sshra.s32 s24, $0x2  }
0x5b: {  	[sflag:s20] =	ssyncadd.s32 $0xFFFFC000;
	s24 =	smov.u32 s25;
	s28 =	sadd.s32 $0x200, s25  }
0x5c: {  	[tilespmem:s23], [sflag:$0x1] =	stream.indirect.gather [hbm4b:s1+s22], $0x80, s26, s22, $0xb8;
	[tilespmem:$0x1F000] =	vst v63  }
0x5d: {  	p0 =	sne.s32 s25, $0x9C00;
	_ =	swait.ge [sflag:s20], $0x4000  }
.Ltmp1:
0x5e: {  	[sflag:s20] =	ssyncset.done $0x0;
	(pc) =	sbr.rel @p0 .LBB2_4-.Ltmp1, $4  }
0x5f: {  	s25 =	sadd.s32 $0x2800, s26;
	[sflag:s20] =	ssyncadd.s32 $0xFFFFC000  }
0x60: {  	[spmem:s3] =	stream.indirect.scatter.add.f32 [tilespmem:s23], [sflag:$0x1], $0x80, s25, s22, $0xb8;
	[tilespmem:$0x1F000] =	vst v63  }
0x61: {  	_ =	swait.ge [sflag:s20], $0x4000  }
0x62: {  	s25 =	smov.u32 s28;
	[sflag:s20] =	ssyncset.done $0x0  }
0x63: {  	s24 =	sshra.s32 s24, $0x2;
	[sflag:s20] =	ssyncadd.s32 $0xFFFFC000  }
0x64: {  	[tilespmem:s23], [sflag:$0x1] =	stream.indirect.gather [hbm4b:s1+s22], $0x80, s24, s22, $0xb8;
	[tilespmem:$0x1F000] =	vst v63  }
0x65: {  	_ =	swait.ge [sflag:s20], $0x4000  }
0x66: {  	[sflag:s20] =	ssyncset.done $0x0  }
0x67: {  	s24 =	sadd.s32 $0x2800, s24;
	[sflag:s20] =	ssyncadd.s32 $0xFFFFC000  }
0x68: {  	[spmem:s3] =	stream.indirect.scatter.add.f32 [tilespmem:s23], [sflag:$0x1], $0x80, s24, s22, $0xb8;
	[tilespmem:$0x1F000] =	vst v63  }
0x69: {  	_ =	swait.ge [sflag:s20], $0x4000  }
0x6a: {  	s31 =	sshll.u32 s0, $0x6;
	s4 =	sadd.s32 $0x1, s4;
	[sflag:s20] =	ssyncset.done $0x0  }
0x6b: {  	s25 =	sshrl.u32 s5, $0x3;
	p0 =	sne.s32 s4, s9;
	[sflag:s20] =	ssyncadd.s32 $0xFFFFC000  }
.Ltmp2:
0x6c: {  	s24 =	sor.u32 $0x1C01, s31;
	[bflag:$0x0] =	sbarrier.arrive $0xFFFF;
	(pc) =	sbr.rel @p0 .LBB2_1-.Ltmp2, $4  }
0x6d: {  	[hbm:s8], [sflag:s24] =	dma.local [spmem:s25], $0x2800  }
0x6e: {  	_ =	swait.ge [sflag:s20], $0x2800  }
0x6f: {  	[sflag:s20] =	ssyncset.done $0x0  }
0x70: {  	[sflag:s20] =	ssyncadd.s32 $0xFFFFD800  }
0x71: {  	_ =	sfence.sel $0x180000  }
0x72: {  	[bflag:$0x0] =	sbarrier.arrive $0xFFFF  }
0x73: {  	p0 =	sne.s32 s0, $0x0;
	_ =	strace $0x9000004A  }
0x74: {  	s0 =	sadd.s32 @!p0 $0x100000, s2;
	[bflag:$0x2] =	sbarrier.arrive $0xFFFF  }
0x75: {  	[sflag:s0] =	ssyncadd.tile.s32 @!p0 $0x1;
	_ =	shalt  }
.Lfunc_end2:
_tile_overlayer_lowered:
.L_overlay_start_2:
0x76: {  	(tag) =	ssettag $0x2  }
0x77: {  	s0 =	rddreg [dreg:$0x0];
	s2 =	stileid.u32  }
0x78: {  	s1 =	rddreg [dreg:$0x1];
	p0 =	sne.s32 s2, $0x0  }
0x79: {  	s3 =	rddreg [dreg:$0x2];
	[bflag:$0x3] =	sbarrier.arrive $0xFFFF;
	s2 =	simm.s32 @!p0 $0x1C01  }
0x7a: {  	[timem:s3], [sflag:s2] =	dma.local @!p0 [hbm:s0], s1  }
0x7b: {  	s0 =	simm.s32 @!p0 $0x1  }
0x7c: {  	_ =	swait.ge @!p0 [sflag:s0], s1  }
0x7d: {  	s1 =	ssub.s32 @!p0 $0x0, s1;
	[sflag:s0] =	ssyncset.done @!p0 $0x0  }
0x7e: {  	[sflag:s0] =	ssyncadd.s32 @!p0 s1  }
0x7f: {  	[bflag:$0x3] =	sbarrier.arrive $0xFFFF  }
0x80: {  	_ =	shalt  }

// kernel: kernel.14.cloned.1.call-start
scs
__scs_entry_jumppad:
0x0: {  	(pc) =	sbr.rel $0x88, $3  }
0x1: {  	(tag) =	ssettag $0x0;
	lr =	simm.s32 $0x1  }
0x2: {  	[smem:$0x3F97] =	sst lr;
	_ =	strace $0xD0000000  }
0x3: {  	_ = 	snop  }
0x4: {  	_ = 	snop  }
0x5: {  	_ = 	snop  }
0x6: {  	_ = 	snop  }
0x7: {  	_ = 	snop  }
__scs_overlays_trampoline_lowered:
0x8: {  	[smem:$0x3FA6] =	sst s0  }
0x9: {  	[smem:$0x3FA7] =	sst s1  }
0xa: {  	[smem:$0x3FA8] =	sst s2  }
0xb: {  	[smem:$0x3FA9] =	sst s3  }
0xc: {  	[smem:$0x3FAA] =	sst s4  }
0xd: {  	[smem:$0x3FAB] =	sst s5  }
0xe: {  	[smem:$0x3FAC] =	sst s6  }
0xf: {  	[smem:$0x3FAD] =	sst s7  }
0x10: {  	[smem:$0x3FAE] =	sst s8  }
0x11: {  	[smem:$0x3FAF] =	sst s9;
	s0 =	simm.s32 @!p0 $0x0  }
0x12: {  	s1 =	sld [smem:$0x3F95];
	s0 =	simm.s32 @p0 $0x1  }
0x13: {  	[smem:$0x3FB0] =	sst s0;
	s0 =	simm.s32 @!p1 $0x0  }
0x14: {  	s2 =	sld [smem:$0x3F94];
	s0 =	simm.s32 @p1 $0x1  }
0x15: {  	[smem:$0x3FB1] =	sst s0;
	s0 =	simm.s32 @!p2 $0x0  }
0x16: {  	s3 =	sld [smem:$0x3FDB];
	s0 =	simm.s32 @p2 $0x1  }
0x17: {  	s4 =	simm.s32 $0x1BF5;
	[smem:$0x3FB3] =	sst s0  }
0x18: {  	s0 =	sld [smem:$0x3F96];
	_ =	swait.ge [sflag:s4], $0x0  }
0x19: {  	s7 =	sld [smem:$0x3F97]  }
0x1a: {  	s8 =	sadd.s32 $0xFFFFE003, lr  }
0x1b: {  	s9 =	sadd.s32 $0xFFFFFEF7, lr;
	s5 =	simm.s32 $0xFFFFFFFF;
	p2 =	slt.u32 s8, $0xFFFFF086  }
0x1c: {  	p1 =	slt.u32 s9, $0xF7A;
	s5 =	simm.s32 @!p2 $0x0  }
0x1d: {  	s5 =	simm.s32 @p1 $0x1;
	p0 =	seq.s32 s7, s2  }
0x1e: {  	s7 =	smul.u32 @!p0 $0xF7A, s2;
	p2 =	seq.s32 @!p0 s5, $0x0  }
0x1f: {  	s9 =	smul.u32 $0xF7A, s1;
	s8 =	simm.s32 @!p0 $0x1BF5;
	p2 =	por !p2, p0  }
0x20: {  	[sflag:s8] =	ssyncset.s32 @!p0 $0xFFFFF086;
	s6 =	sadd.s32 @!p0 s3, s7;
	s7 =	simm.s32 @!p0 $0x108  }
0x21: {  	s3 =	sadd.s32 s3, s9;
	s6 =	sadd.s32 @!p0 $0x88, s6;
	s7 =	simm.s32 @p2 $0x1082  }
0x22: {  	[simem:s7], [sflag:s8] =	dma.local @!p0 [hbm:s6], $0xF7A  }
0x23: {  	s9 =	sor.u32 $0xD0000000, s2;
	s6 =	simm.s32 $0x108;
	_ =	swait.ge @!p0 [sflag:s8], $0x0  }
0x24: {  	s3 =	sadd.s32 $0x88, s3;
	s6 =	simm.s32 @!p1 $0x1082;
	[sflag:s4] =	ssyncset.s32 $0xFFFFF086  }
0x25: {  	[simem:s6], [sflag:s4] =	dma.local [hbm:s3], $0xF7A  }
0x26: {  	[smem:$0x3F97] =	sst s1;
	(tag) =	ssettag s2;
	_ =	strace s9  }
0x27: {  	s1 =	sld [smem:$0x3FA7]  }
0x28: {  	s2 =	sld [smem:$0x3FA8]  }
0x29: {  	s4 =	sld [smem:$0x3FAA]  }
0x2a: {  	p0 =	seq.s32 s5, $0x0;
	s5 =	sld [smem:$0x3FAB]  }
0x2b: {  	s6 =	sld [smem:$0x3FAC]  }
0x2c: {  	s7 =	sld [smem:$0x3FAD]  }
0x2d: {  	s3 =	simm.s32 $0x108;
	s8 =	sld [smem:$0x3FAE]  }
0x2e: {  	s3 =	simm.s32 @!p0 $0x1082;
	s9 =	sld [smem:$0x3FAF]  }
0x2f: {  	lr =	sadd.s32 s0, s3;
	s0 =	sld [smem:$0x3FA6]  }
0x30: {  	s3 =	sld [smem:$0x3FA9]  }
0x31: {  	[smem:$0x3FB2] =	sst s10  }
0x32: {  	s10 =	sld [smem:$0x3FB0];
	_ =	sdelay $0x3  }
0x33: {  	p0 =	seq.s32 s10, $0x1;
	s10 =	sld [smem:$0x3FB2];
	_ =	sdelay $0x3  }
0x34: {  	[smem:$0x3FB2] =	sst s10  }
0x35: {  	s10 =	sld [smem:$0x3FB1];
	_ =	sdelay $0x3  }
0x36: {  	p1 =	seq.s32 s10, $0x1;
	s10 =	sld [smem:$0x3FB2];
	_ =	sdelay $0x3  }
0x37: {  	[smem:$0x3FB2] =	sst s10  }
0x38: {  	s10 =	sld [smem:$0x3FB3]  }
0x39: {  	_ = 	snop;
	(pc) =	sbr.ind lr, $3  }
0x3a: {  	_ = 	snop  }
0x3b: {  	_ = 	snop  }
0x3c: {  	p2 =	seq.s32 s10, $0x1;
	s10 =	sld [smem:$0x3FB2]  }
0x3d: {  	_ =	shalt  }
0x3e: {  	_ =	shalt  }
0x3f: {  	_ =	shalt  }
0x40: {  	_ =	shalt  }
0x41: {  	_ =	shalt  }
0x42: {  	_ =	shalt  }
0x43: {  	_ =	shalt  }
0x44: {  	_ =	shalt  }
0x45: {  	_ =	shalt  }
0x46: {  	_ =	shalt  }
0x47: {  	_ =	shalt  }
0x48: {  	_ =	shalt  }
0x49: {  	_ =	shalt  }
0x4a: {  	_ =	shalt  }
0x4b: {  	_ =	shalt  }
0x4c: {  	_ =	shalt  }
0x4d: {  	_ =	shalt  }
0x4e: {  	_ =	shalt  }
0x4f: {  	_ =	shalt  }
0x50: {  	_ =	shalt  }
0x51: {  	_ =	shalt  }
0x52: {  	_ =	shalt  }
0x53: {  	_ =	shalt  }
0x54: {  	_ =	shalt  }
0x55: {  	_ =	shalt  }
0x56: {  	_ =	shalt  }
0x57: {  	_ =	shalt  }
0x58: {  	_ =	shalt  }
0x59: {  	_ =	shalt  }
0x5a: {  	_ =	shalt  }
0x5b: {  	_ =	shalt  }
0x5c: {  	_ =	shalt  }
0x5d: {  	_ =	shalt  }
0x5e: {  	_ =	shalt  }
0x5f: {  	_ =	shalt  }
0x60: {  	_ =	shalt  }
0x61: {  	_ =	shalt  }
0x62: {  	_ =	shalt  }
0x63: {  	_ =	shalt  }
0x64: {  	_ =	shalt  }
0x65: {  	_ =	shalt  }
0x66: {  	_ =	shalt  }
0x67: {  	_ =	shalt  }
0x68: {  	_ =	shalt  }
0x69: {  	_ =	shalt  }
0x6a: {  	_ =	shalt  }
0x6b: {  	_ =	shalt  }
0x6c: {  	_ =	shalt  }
0x6d: {  	_ =	shalt  }
0x6e: {  	_ =	shalt  }
0x6f: {  	_ =	shalt  }
0x70: {  	_ =	shalt  }
0x71: {  	_ =	shalt  }
0x72: {  	_ =	shalt  }
0x73: {  	_ =	shalt  }
0x74: {  	_ =	shalt  }
0x75: {  	_ =	shalt  }
0x76: {  	_ =	shalt  }
0x77: {  	_ =	shalt  }
0x78: {  	_ =	shalt  }
0x79: {  	_ =	shalt  }
0x7a: {  	_ =	shalt  }
0x7b: {  	_ =	shalt  }
0x7c: {  	_ =	shalt  }
0x7d: {  	_ =	shalt  }
0x7e: {  	_ =	shalt  }
0x7f: {  	_ =	shalt  }
0x80: {  	_ =	shalt  }
0x81: {  	_ =	shalt  }
0x82: {  	_ =	shalt  }
0x83: {  	_ =	shalt  }
0x84: {  	_ =	shalt  }
0x85: {  	_ =	shalt  }
0x86: {  	_ =	shalt  }
0x87: {  	_ =	shalt  }
.Lfunc_end0:
.L_simem_size_0:
called_computation.2_lowered:
.L_overlay_start_0:
0x88: {  	s2 =	sld [smem:$0x3FD9]  }
0x89: {  	s3 =	sld [smem:$0x3FFE];
	_ =	sdelay $0x1  }
0x8a: {  	s1 =	srdreg.scid  }
0x8b: {  	s0 =	sand.u32 $0x1, s1  }
0x8c: {  	s17 =	sshll.u32 s0, $0xA;
	s2 =	sadd.s32 s3, s2  }
0x8d: {  	s2 =	sadd.s32 s2, s17  }
0x8e: {  	[smem:$0x3FBE] =	sst s2  }
0x8f: {  	_ = 	snop  }
0x90: {  	s2 =	sld [smem:$0x3FD0];
	(tm) =	ssettm $0x1  }
0x91: {  	s18 =	sld [smem:$0x3FFB];
	_ =	sdelay $0x3  }
0x92: {  	_ =	strace s18  }
0x93: {  	s3 =	sld [smem:$0x3FFC];
	_ =	sdelay $0x3  }
0x94: {  	_ =	strace s3  }
0x95: {  	s3 =	sld [smem:$0x3FFD];
	_ =	sdelay $0x3  }
0x96: {  	_ =	strace s3  }
0x97: {  	_ =	strace $0x8FFFFFFF  }
0x98: {  	s19 =	sld [smem:$0x3FDB];
	_ =	sdelay $0x1  }
0x99: {  	s4 =	simm.s32 $_scs_section_size  }
0x9a: {  	s5 =	simm.s32 $_size__tile_overlayer_lowered;
	s6 =	simm.s32 $_tile_overlayer_lowered  }
0x9b: {  	s22 =	simm.s32 $0x1BFF;
	s21 =	sshll.u32 s6, $0x1;
	s3 =	sadd.s32 s4, s19  }
0x9c: {  	s7 =	simm.s32 $0x0;
	s20 =	sshll.u32 s5, $0x1;
	s5 =	sadd.s32 s21, s3  }
0x9d: {  	[timem:s7], [sflag:s22] =	dma.local [hbm:s5], s20  }
0x9e: {  	_ =	swait.ge [sflag:s22], s20  }
0x9f: {  	s4 =	ssub.s32 $0x0, s20;
	[sflag:s22] =	ssyncset.done $0x0  }
0xa0: {  	[sflag:s22] =	ssyncadd.s32 s4;
	_ =	sdelay $0x1  }
0xa1: {  	s23 =	simm.s32 $0x1B8B  }
0xa2: {  	_ =	swait.ge [sflag:s23], $0x1  }
0xa3: {  	[sflag:s23] =	ssyncset.done $0x0  }
0xa4: {  	s25 =	simm.s32 $0x1B8E;
	s24 =	sld [smem:$0x3FFE];
	[sflag:s23] =	ssyncadd.s32 $0xFFFFFFFF  }
0xa5: {  	s26 =	simm.s32 $execute0_lowered;
	[smem:$0x3FD2] =	sst s25  }
0xa6: {  	s5 =	sshll.u32 s26, $0x1;
	_ =	strace $0x8000004C;
	[dreg:$0x1] =	wrdreg $0xFFFFFFFF  }
0xa7: {  	s28 =	simm.s32 $_size_execute0_lowered;
	s3 =	sadd.s32 s3, s5;
	[dreg:$0x0] =	wrdreg $0x0  }
0xa8: {  	s5 =	sshll.u32 s28, $0x1;
	[dreg:$0x2] =	wrdreg s3  }
0xa9: {  	[dreg:$0x3] =	wrdreg s5  }
0xaa: {  	[dreg:$0x4] =	wrdreg $0xC0  }
0xab: {  	_ =	task [dreg:s7], $0x5FFFF  }
0xac: {  	[dreg:$0x1] =	wrdreg $0xFFFFFFFF  }
0xad: {  	[dreg:$0x0] =	wrdreg $0x60  }
0xae: {  	[dreg:$0x2] =	wrdreg s2  }
0xaf: {  	[dreg:$0x3] =	wrdreg s24  }
0xb0: {  	[dreg:$0x4] =	wrdreg $0xB0000  }
0xb1: {  	[dreg:$0x5] =	wrdreg $0x9  }
0xb2: {  	_ =	task.clear_ibuf [dreg:s7], $0x6FFFF;
	_ =	strace $0x9000004C  }
0xb3: {  	s29 =	simm.s32 $0x9;
	_ =	strace $0x8000004E  }
0xb4: {  	_ =	swait.ge [sflag:s29], $0x1  }
0xb5: {  	[sflag:s29] =	ssyncadd.s32 $0xFFFFFFFF  }
0xb6: {  	_ =	strace $0x9000004E  }
0xb7: {  	_ =	sfence  }
0xb8: {  	s30 =	sld [smem:$0x0];
	_ =	sdelay $0x2  }
0xb9: {  	s31 =	sshll.u32 s1, $0xD;
	s1 =	sshrl.u32 s1, $0x2  }
0xba: {  	s3 =	sand.u32 $0x4000, s31;
	s1 =	sadd.s32 s1, s30  }
0xbb: {  	s0 =	sor.u32 s3, s0;
	s1 =	sshll.u32 s1, $0x11  }
0xbc: {  	s0 =	sor.u32 s1, s0  }
0xbd: {  	s0 =	sadd.s32 $0x8F2B, s0  }
0xbe: {  	[sflag:s0] =	ssyncadd.remote.s32 $0x1  }
0xbf: {  	_ =	sfence.sel $0xFFFF  }
0xc0: {  	[dreg:$0x0] =	wrdreg $0xFFFFFFFF;
	(pc) =	sbr.abs _section_cstart, $3  }
0xc1: {  	[dreg:$0x1] =	wrdreg $0xFFFFFFFF  }
0xc2: {  	_ =	task.clear_ibuf [dreg:s7], $0x2FFFF;
	_ =	strace $0x9FFFFFFF  }
0xc3: {  	(tm) =	ssettm $0x7FFFFFFF  }
tec
execute0_lowered:
.L_overlay_start_1:
0x0: {  	(tag) =	ssettag $0x1  }
0x1: {  	s1 =	rddreg [dreg:$0x0]  }
0x2: {  	s6 =	rddreg [dreg:$0x1]  }
0x3: {  	s0 =	srdreg.scid;
	s3 =	rddreg [dreg:$0x2]  }
0x4: {  	s4 =	simm.s32 $0x0;
	s19 =	simm.s32 $0x9000;
	s20 =	simm.s32 $0x1  }
0x5: {  	s21 =	simm.s32 $0x2800;
	s22 =	simm.s32 $0x80;
	s5 =	sand.u32 $0x1, s0  }
0x6: {  	s23 =	simm.s32 $0x5000;
	s0 =	stileid.u32;
	s8 =	smul.u32 $0x140000, s5  }
0x7: {  	[smem:$0x7FF] =	sst s4;
	s2 =	sshll.u32 s5, $0x4;
	s9 =	smul.u32 $0x14000, s0  }
0x8: {  	s10 =	smul.u32 $0x50000, s0;
	s5 =	ssub.s32 $0x2, s5;
	s2 =	sor.u32 s0, s2  }
0x9: {  	s31 =	sshrl.u32 s5, $0x1;
	s7 =	smul.u32 $0x500, s2;
	s2 =	rddreg [dreg:$0x3]  }
0xa: {  	_ =	strace $0x8000004D;
	s8 =	sadd.s32 s9, s8;
	s10 =	sshrl.u32 s10, $0x2  }
0xb: {  	s9 =	ssub.s32 s5, s31;
	s8 =	sshrl.u32 s8, $0x3;
	s5 =	sadd.s32 s10, s3  }
0xc: {  	s9 =	smax.u32 s9, $0x1;
	s7 =	sadd.s32 s7, s6;
	s8 =	sadd.s32 s8, s6  }
0xd: {  	s10 =	sadd.s32 $0x2000, s5;
	s11 =	sadd.s32 $0x4000, s5;
	s12 =	sadd.s32 $0x6000, s5  }
0xe: {  	s13 =	sadd.s32 $0x8000, s5;
	s14 =	sadd.s32 $0xA000, s5;
	s15 =	sadd.s32 $0xC000, s5  }
0xf: {  	s16 =	sadd.s32 $0xE000, s5;
	s17 =	sadd.s32 $0x10000, s5;
	s18 =	sadd.s32 $0x12000, s5  }
0x10: {  	v0 =	vimm.f32 $0.0e+00;
	s6 =	sadd.s32 $0x16800, s7;
	s7 =	sadd.s32 $0x2800, s7;
	s8 =	sadd.s32 $0x20800, s8  }
.LBB2_1:
0x11: {  	s24 =	simm.s32 $0x0;
	s25 =	simm.s32 $0x200  }
.LBB2_2:
0x12: {  	p0 =	sne.s32 s25, $0x7E00;
	[tilespmem:s24+$0x9070] =	vst v0  }
0x13: {  	[tilespmem:s24+$0x9000] =	vst v0  }
0x14: {  	[tilespmem:s24+$0x9010] =	vst v0  }
.Ltmp0:
0x15: {  	[tilespmem:s24+$0x9020] =	vst v0;
	(pc) =	sbr.rel @p0 .LBB2_2-.Ltmp0, $4  }
0x16: {  	[tilespmem:s24+$0x9030] =	vst v0  }
0x17: {  	[tilespmem:s24+$0x9040] =	vst v0  }
0x18: {  	[tilespmem:s24+$0x9050] =	vst v0  }
0x19: {  	[tilespmem:s24+$0x9060] =	vst v0;
	s24 =	sshra.s32 s25, $0x2;
	s25 =	sadd.s32 $0x200, s25  }
0x1a: {  	[tilespmem:s24+$0x9070] =	vst v0  }
0x1b: {  	[tilespmem:s24+$0x9000] =	vst v0  }
0x1c: {  	[tilespmem:s24+$0x9010] =	vst v0  }
0x1d: {  	[tilespmem:s24+$0x9020] =	vst v0  }
0x1e: {  	[tilespmem:s24+$0x9030] =	vst v0  }
0x1f: {  	[tilespmem:s24+$0x9040] =	vst v0  }
0x20: {  	[tilespmem:s24+$0x9050] =	vst v0  }
0x21: {  	[tilespmem:s24+$0x9060] =	vst v0  }
0x22: {  	[spmem:s5] =	stream.linear.scatter [tilespmem:s19], [sflag:$0x1], $0x2000, $0x38;
	[tilespmem:$0x1F000] =	vst v63  }
0x23: {  	_ =	swait.ge [sflag:s20], $0x2000  }
0x24: {  	[sflag:s20] =	ssyncset.done $0x0  }
0x25: {  	[sflag:s20] =	ssyncadd.s32 $0xFFFFE000  }
0x26: {  	[spmem:s10] =	stream.linear.scatter [tilespmem:s19], [sflag:$0x1], $0x2000, $0x38;
	[tilespmem:$0x1F000] =	vst v63  }
0x27: {  	_ =	swait.ge [sflag:s20], $0x2000  }
0x28: {  	[sflag:s20] =	ssyncset.done $0x0  }
0x29: {  	[sflag:s20] =	ssyncadd.s32 $0xFFFFE000  }
0x2a: {  	[spmem:s11] =	stream.linear.scatter [tilespmem:s19], [sflag:$0x1], $0x2000, $0x38;
	[tilespmem:$0x1F000] =	vst v63  }
0x2b: {  	_ =	swait.ge [sflag:s20], $0x2000  }
0x2c: {  	[sflag:s20] =	ssyncset.done $0x0  }
0x2d: {  	[sflag:s20] =	ssyncadd.s32 $0xFFFFE000  }
0x2e: {  	[spmem:s12] =	stream.linear.scatter [tilespmem:s19], [sflag:$0x1], $0x2000, $0x38;
	[tilespmem:$0x1F000] =	vst v63  }
0x2f: {  	_ =	swait.ge [sflag:s20], $0x2000  }
0x30: {  	[sflag:s20] =	ssyncset.done $0x0  }
0x31: {  	[sflag:s20] =	ssyncadd.s32 $0xFFFFE000  }
0x32: {  	[spmem:s13] =	stream.linear.scatter [tilespmem:s19], [sflag:$0x1], $0x2000, $0x38;
	[tilespmem:$0x1F000] =	vst v63  }
0x33: {  	_ =	swait.ge [sflag:s20], $0x2000  }
0x34: {  	[sflag:s20] =	ssyncset.done $0x0  }
0x35: {  	[sflag:s20] =	ssyncadd.s32 $0xFFFFE000  }
0x36: {  	[spmem:s14] =	stream.linear.scatter [tilespmem:s19], [sflag:$0x1], $0x2000, $0x38;
	[tilespmem:$0x1F000] =	vst v63  }
0x37: {  	_ =	swait.ge [sflag:s20], $0x2000  }
0x38: {  	[sflag:s20] =	ssyncset.done $0x0  }
0x39: {  	[sflag:s20] =	ssyncadd.s32 $0xFFFFE000  }
0x3a: {  	[spmem:s15] =	stream.linear.scatter [tilespmem:s19], [sflag:$0x1], $0x2000, $0x38;
	[tilespmem:$0x1F000] =	vst v63  }
0x3b: {  	_ =	swait.ge [sflag:s20], $0x2000  }
0x3c: {  	[sflag:s20] =	ssyncset.done $0x0  }
0x3d: {  	[sflag:s20] =	ssyncadd.s32 $0xFFFFE000  }
0x3e: {  	[spmem:s16] =	stream.linear.scatter [tilespmem:s19], [sflag:$0x1], $0x2000, $0x38;
	[tilespmem:$0x1F000] =	vst v63  }
0x3f: {  	_ =	swait.ge [sflag:s20], $0x2000  }
0x40: {  	[sflag:s20] =	ssyncset.done $0x0  }
0x41: {  	[sflag:s20] =	ssyncadd.s32 $0xFFFFE000  }
0x42: {  	[spmem:s17] =	stream.linear.scatter [tilespmem:s19], [sflag:$0x1], $0x2000, $0x38;
	[tilespmem:$0x1F000] =	vst v63  }
0x43: {  	_ =	swait.ge [sflag:s20], $0x2000  }
0x44: {  	[sflag:s20] =	ssyncset.done $0x0  }
0x45: {  	[sflag:s20] =	ssyncadd.s32 $0xFFFFE000  }
0x46: {  	[spmem:s18] =	stream.linear.scatter [tilespmem:s19], [sflag:$0x1], $0x2000, $0x38;
	[tilespmem:$0x1F000] =	vst v63  }
0x47: {  	_ =	swait.ge [sflag:s20], $0x2000  }
0x48: {  	[sflag:s20] =	ssyncset.done $0x0  }
0x49: {  	s29 =	simm.s32 $0x0;
	[sflag:s20] =	ssyncadd.s32 $0xFFFFE000  }
0x4a: {  	[tilespmem:s29], [sflag:$0x1] =	stream.linear.gather [hbm4b:s6+s29], $0x2780, $0x38;
	[tilespmem:$0x1F000] =	vst v63  }
0x4b: {  	_ =	swait.ge [sflag:s20], $0x2780  }
0x4c: {  	[sflag:s20] =	ssyncset.done $0x0  }
0x4d: {  	[sflag:s20] =	ssyncadd.s32 $0xFFFFD880  }
0x4e: {  	[tilespmem:s21], [sflag:$0x1] =	stream.linear.gather [hbm4b:s7+s29], $0x2780, $0x38;
	[tilespmem:$0x1F000] =	vst v63  }
0x4f: {  	_ =	swait.ge [sflag:s20], $0x2780  }
0x50: {  	[sflag:s20] =	ssyncset.done $0x0  }
0x51: {  	[sflag:s20] =	ssyncadd.s32 $0xFFFFD880  }
0x52: {  	s30 =	simm.s32 $0x0;
	[bflag:$0x0] =	sbarrier.arrive $0xFFFF  }
0x53: {  	[tilespmem:s23], [sflag:$0x1] =	stream.indirect.gather [hbm4b:s1+s22], $0x80, s30, s22, $0xb8;
	[tilespmem:$0x1F000] =	vst v63  }
0x54: {  	_ =	swait.ge [sflag:s20], $0x4000  }
0x55: {  	[sflag:s20] =	ssyncset.done $0x0  }
0x56: {  	s31 =	simm.s32 $0x2800;
	[sflag:s20] =	ssyncadd.s32 $0xFFFFC000  }
0x57: {  	[spmem:s3] =	stream.indirect.scatter.add.f32 [tilespmem:s23], [sflag:$0x1], $0x80, s31, s22, $0xb8;
	[tilespmem:$0x1F000] =	vst v63  }
0x58: {  	_ =	swait.ge [sflag:s20], $0x4000  }
0x59: {  	s24 =	simm.s32 $0x200;
	s25 =	simm.s32 $0x400;
	[sflag:s20] =	ssyncset.done $0x0  }
.LBB2_4:
0x5a: {  	s26 =	sshra.s32 s24, $0x2  }
0x5b: {  	[sflag:s20] =	ssyncadd.s32 $0xFFFFC000;
	s24 =	smov.u32 s25;
	s28 =	sadd.s32 $0x200, s25  }
0x5c: {  	[tilespmem:s23], [sflag:$0x1] =	stream.indirect.gather [hbm4b:s1+s22], $0x80, s26, s22, $0xb8;
	[tilespmem:$0x1F000] =	vst v63  }
0x5d: {  	p0 =	sne.s32 s25, $0x9C00;
	_ =	swait.ge [sflag:s20], $0x4000  }
.Ltmp1:
0x5e: {  	[sflag:s20] =	ssyncset.done $0x0;
	(pc) =	sbr.rel @p0 .LBB2_4-.Ltmp1, $4  }
0x5f: {  	s25 =	sadd.s32 $0x2800, s26;
	[sflag:s20] =	ssyncadd.s32 $0xFFFFC000  }
0x60: {  	[spmem:s3] =	stream.indirect.scatter.add.f32 [tilespmem:s23], [sflag:$0x1], $0x80, s25, s22, $0xb8;
	[tilespmem:$0x1F000] =	vst v63  }
0x61: {  	_ =	swait.ge [sflag:s20], $0x4000  }
0x62: {  	s25 =	smov.u32 s28;
	[sflag:s20] =	ssyncset.done $0x0  }
0x63: {  	s24 =	sshra.s32 s24, $0x2;
	[sflag:s20] =	ssyncadd.s32 $0xFFFFC000  }
0x64: {  	[tilespmem:s23], [sflag:$0x1] =	stream.indirect.gather [hbm4b:s1+s22], $0x80, s24, s22, $0xb8;
	[tilespmem:$0x1F000] =	vst v63  }
0x65: {  	_ =	swait.ge [sflag:s20], $0x4000  }
0x66: {  	[sflag:s20] =	ssyncset.done $0x0  }
0x67: {  	s24 =	sadd.s32 $0x2800, s24;
	[sflag:s20] =	ssyncadd.s32 $0xFFFFC000  }
0x68: {  	[spmem:s3] =	stream.indirect.scatter.add.f32 [tilespmem:s23], [sflag:$0x1], $0x80, s24, s22, $0xb8;
	[tilespmem:$0x1F000] =	vst v63  }
0x69: {  	_ =	swait.ge [sflag:s20], $0x4000  }
0x6a: {  	s31 =	sshll.u32 s0, $0x6;
	s4 =	sadd.s32 $0x1, s4;
	[sflag:s20] =	ssyncset.done $0x0  }
0x6b: {  	s25 =	sshrl.u32 s5, $0x3;
	p0 =	sne.s32 s4, s9;
	[sflag:s20] =	ssyncadd.s32 $0xFFFFC000  }
.Ltmp2:
0x6c: {  	s24 =	sor.u32 $0x1C01, s31;
	[bflag:$0x0] =	sbarrier.arrive $0xFFFF;
	(pc) =	sbr.rel @p0 .LBB2_1-.Ltmp2, $4  }
0x6d: {  	[hbm:s8], [sflag:s24] =	dma.local [spmem:s25], $0x2800  }
0x6e: {  	_ =	swait.ge [sflag:s20], $0x2800  }
0x6f: {  	[sflag:s20] =	ssyncset.done $0x0  }
0x70: {  	[sflag:s20] =	ssyncadd.s32 $0xFFFFD800  }
0x71: {  	_ =	sfence.sel $0x180000  }
0x72: {  	[bflag:$0x0] =	sbarrier.arrive $0xFFFF  }
0x73: {  	p0 =	sne.s32 s0, $0x0;
	_ =	strace $0x9000004D  }
0x74: {  	s0 =	sadd.s32 @!p0 $0x100000, s2;
	[bflag:$0x2] =	sbarrier.arrive $0xFFFF  }
0x75: {  	[sflag:s0] =	ssyncadd.tile.s32 @!p0 $0x1;
	_ =	shalt  }
.Lfunc_end2:
_tile_overlayer_lowered:
.L_overlay_start_2:
0x76: {  	(tag) =	ssettag $0x2  }
0x77: {  	s0 =	rddreg [dreg:$0x0];
	s2 =	stileid.u32  }
0x78: {  	s1 =	rddreg [dreg:$0x1];
	p0 =	sne.s32 s2, $0x0  }
0x79: {  	s3 =	rddreg [dreg:$0x2];
	[bflag:$0x3] =	sbarrier.arrive $0xFFFF;
	s2 =	simm.s32 @!p0 $0x1C01  }
0x7a: {  	[timem:s3], [sflag:s2] =	dma.local @!p0 [hbm:s0], s1  }
0x7b: {  	s0 =	simm.s32 @!p0 $0x1  }
0x7c: {  	_ =	swait.ge @!p0 [sflag:s0], s1  }
0x7d: {  	s1 =	ssub.s32 @!p0 $0x0, s1;
	[sflag:s0] =	ssyncset.done @!p0 $0x0  }
0x7e: {  	[sflag:s0] =	ssyncadd.s32 @!p0 s1  }
0x7f: {  	[bflag:$0x3] =	sbarrier.arrive $0xFFFF  }
0x80: {  	_ =	shalt  }

// kernel: kernel.8.cloned.1.call-start
scs
__scs_entry_jumppad:
0x0: {  	(pc) =	sbr.rel $0x88, $3  }
0x1: {  	(tag) =	ssettag $0x0;
	lr =	simm.s32 $0x1  }
0x2: {  	[smem:$0x3F97] =	sst lr;
	_ =	strace $0xD0000000  }
0x3: {  	_ = 	snop  }
0x4: {  	_ = 	snop  }
0x5: {  	_ = 	snop  }
0x6: {  	_ = 	snop  }
0x7: {  	_ = 	snop  }
__scs_overlays_trampoline_lowered:
0x8: {  	[smem:$0x3FA6] =	sst s0  }
0x9: {  	[smem:$0x3FA7] =	sst s1  }
0xa: {  	[smem:$0x3FA8] =	sst s2  }
0xb: {  	[smem:$0x3FA9] =	sst s3  }
0xc: {  	[smem:$0x3FAA] =	sst s4  }
0xd: {  	[smem:$0x3FAB] =	sst s5  }
0xe: {  	[smem:$0x3FAC] =	sst s6  }
0xf: {  	[smem:$0x3FAD] =	sst s7  }
0x10: {  	[smem:$0x3FAE] =	sst s8  }
0x11: {  	[smem:$0x3FAF] =	sst s9;
	s0 =	simm.s32 @!p0 $0x0  }
0x12: {  	s1 =	sld [smem:$0x3F95];
	s0 =	simm.s32 @p0 $0x1  }
0x13: {  	[smem:$0x3FB0] =	sst s0;
	s0 =	simm.s32 @!p1 $0x0  }
0x14: {  	s2 =	sld [smem:$0x3F94];
	s0 =	simm.s32 @p1 $0x1  }
0x15: {  	[smem:$0x3FB1] =	sst s0;
	s0 =	simm.s32 @!p2 $0x0  }
0x16: {  	s3 =	sld [smem:$0x3FDB];
	s0 =	simm.s32 @p2 $0x1  }
0x17: {  	s4 =	simm.s32 $0x1BF5;
	[smem:$0x3FB3] =	sst s0  }
0x18: {  	s0 =	sld [smem:$0x3F96];
	_ =	swait.ge [sflag:s4], $0x0  }
0x19: {  	s7 =	sld [smem:$0x3F97]  }
0x1a: {  	s8 =	sadd.s32 $0xFFFFE003, lr  }
0x1b: {  	s9 =	sadd.s32 $0xFFFFFEF7, lr;
	s5 =	simm.s32 $0xFFFFFFFF;
	p2 =	slt.u32 s8, $0xFFFFF086  }
0x1c: {  	p1 =	slt.u32 s9, $0xF7A;
	s5 =	simm.s32 @!p2 $0x0  }
0x1d: {  	s5 =	simm.s32 @p1 $0x1;
	p0 =	seq.s32 s7, s2  }
0x1e: {  	s7 =	smul.u32 @!p0 $0xF7A, s2;
	p2 =	seq.s32 @!p0 s5, $0x0  }
0x1f: {  	s9 =	smul.u32 $0xF7A, s1;
	s8 =	simm.s32 @!p0 $0x1BF5;
	p2 =	por !p2, p0  }
0x20: {  	[sflag:s8] =	ssyncset.s32 @!p0 $0xFFFFF086;
	s6 =	sadd.s32 @!p0 s3, s7;
	s7 =	simm.s32 @!p0 $0x108  }
0x21: {  	s3 =	sadd.s32 s3, s9;
	s6 =	sadd.s32 @!p0 $0x88, s6;
	s7 =	simm.s32 @p2 $0x1082  }
0x22: {  	[simem:s7], [sflag:s8] =	dma.local @!p0 [hbm:s6], $0xF7A  }
0x23: {  	s9 =	sor.u32 $0xD0000000, s2;
	s6 =	simm.s32 $0x108;
	_ =	swait.ge @!p0 [sflag:s8], $0x0  }
0x24: {  	s3 =	sadd.s32 $0x88, s3;
	s6 =	simm.s32 @!p1 $0x1082;
	[sflag:s4] =	ssyncset.s32 $0xFFFFF086  }
0x25: {  	[simem:s6], [sflag:s4] =	dma.local [hbm:s3], $0xF7A  }
0x26: {  	[smem:$0x3F97] =	sst s1;
	(tag) =	ssettag s2;
	_ =	strace s9  }
0x27: {  	s1 =	sld [smem:$0x3FA7]  }
0x28: {  	s2 =	sld [smem:$0x3FA8]  }
0x29: {  	s4 =	sld [smem:$0x3FAA]  }
0x2a: {  	p0 =	seq.s32 s5, $0x0;
	s5 =	sld [smem:$0x3FAB]  }
0x2b: {  	s6 =	sld [smem:$0x3FAC]  }
0x2c: {  	s7 =	sld [smem:$0x3FAD]  }
0x2d: {  	s3 =	simm.s32 $0x108;
	s8 =	sld [smem:$0x3FAE]  }
0x2e: {  	s3 =	simm.s32 @!p0 $0x1082;
	s9 =	sld [smem:$0x3FAF]  }
0x2f: {  	lr =	sadd.s32 s0, s3;
	s0 =	sld [smem:$0x3FA6]  }
0x30: {  	s3 =	sld [smem:$0x3FA9]  }
0x31: {  	[smem:$0x3FB2] =	sst s10  }
0x32: {  	s10 =	sld [smem:$0x3FB0];
	_ =	sdelay $0x3  }
0x33: {  	p0 =	seq.s32 s10, $0x1;
	s10 =	sld [smem:$0x3FB2];
	_ =	sdelay $0x3  }
0x34: {  	[smem:$0x3FB2] =	sst s10  }
0x35: {  	s10 =	sld [smem:$0x3FB1];
	_ =	sdelay $0x3  }
0x36: {  	p1 =	seq.s32 s10, $0x1;
	s10 =	sld [smem:$0x3FB2];
	_ =	sdelay $0x3  }
0x37: {  	[smem:$0x3FB2] =	sst s10  }
0x38: {  	s10 =	sld [smem:$0x3FB3]  }
0x39: {  	_ = 	snop;
	(pc) =	sbr.ind lr, $3  }
0x3a: {  	_ = 	snop  }
0x3b: {  	_ = 	snop  }
0x3c: {  	p2 =	seq.s32 s10, $0x1;
	s10 =	sld [smem:$0x3FB2]  }
0x3d: {  	_ =	shalt  }
0x3e: {  	_ =	shalt  }
0x3f: {  	_ =	shalt  }
0x40: {  	_ =	shalt  }
0x41: {  	_ =	shalt  }
0x42: {  	_ =	shalt  }
0x43: {  	_ =	shalt  }
0x44: {  	_ =	shalt  }
0x45: {  	_ =	shalt  }
0x46: {  	_ =	shalt  }
0x47: {  	_ =	shalt  }
0x48: {  	_ =	shalt  }
0x49: {  	_ =	shalt  }
0x4a: {  	_ =	shalt  }
0x4b: {  	_ =	shalt  }
0x4c: {  	_ =	shalt  }
0x4d: {  	_ =	shalt  }
0x4e: {  	_ =	shalt  }
0x4f: {  	_ =	shalt  }
0x50: {  	_ =	shalt  }
0x51: {  	_ =	shalt  }
0x52: {  	_ =	shalt  }
0x53: {  	_ =	shalt  }
0x54: {  	_ =	shalt  }
0x55: {  	_ =	shalt  }
0x56: {  	_ =	shalt  }
0x57: {  	_ =	shalt  }
0x58: {  	_ =	shalt  }
0x59: {  	_ =	shalt  }
0x5a: {  	_ =	shalt  }
0x5b: {  	_ =	shalt  }
0x5c: {  	_ =	shalt  }
0x5d: {  	_ =	shalt  }
0x5e: {  	_ =	shalt  }
0x5f: {  	_ =	shalt  }
0x60: {  	_ =	shalt  }
0x61: {  	_ =	shalt  }
0x62: {  	_ =	shalt  }
0x63: {  	_ =	shalt  }
0x64: {  	_ =	shalt  }
0x65: {  	_ =	shalt  }
0x66: {  	_ =	shalt  }
0x67: {  	_ =	shalt  }
0x68: {  	_ =	shalt  }
0x69: {  	_ =	shalt  }
0x6a: {  	_ =	shalt  }
0x6b: {  	_ =	shalt  }
0x6c: {  	_ =	shalt  }
0x6d: {  	_ =	shalt  }
0x6e: {  	_ =	shalt  }
0x6f: {  	_ =	shalt  }
0x70: {  	_ =	shalt  }
0x71: {  	_ =	shalt  }
0x72: {  	_ =	shalt  }
0x73: {  	_ =	shalt  }
0x74: {  	_ =	shalt  }
0x75: {  	_ =	shalt  }
0x76: {  	_ =	shalt  }
0x77: {  	_ =	shalt  }
0x78: {  	_ =	shalt  }
0x79: {  	_ =	shalt  }
0x7a: {  	_ =	shalt  }
0x7b: {  	_ =	shalt  }
0x7c: {  	_ =	shalt  }
0x7d: {  	_ =	shalt  }
0x7e: {  	_ =	shalt  }
0x7f: {  	_ =	shalt  }
0x80: {  	_ =	shalt  }
0x81: {  	_ =	shalt  }
0x82: {  	_ =	shalt  }
0x83: {  	_ =	shalt  }
0x84: {  	_ =	shalt  }
0x85: {  	_ =	shalt  }
0x86: {  	_ =	shalt  }
0x87: {  	_ =	shalt  }
.Lfunc_end0:
.L_simem_size_0:
called_computation_lowered:
.L_overlay_start_0:
0x88: {  	s2 =	sld [smem:$0x3FD9]  }
0x89: {  	s3 =	sld [smem:$0x3FFE];
	_ =	sdelay $0x1  }
0x8a: {  	s1 =	srdreg.scid  }
0x8b: {  	s0 =	sand.u32 $0x1, s1  }
0x8c: {  	s16 =	sshll.u32 s0, $0xA;
	s2 =	sadd.s32 s3, s2  }
0x8d: {  	s2 =	sadd.s32 s2, s16  }
0x8e: {  	[smem:$0x3FBE] =	sst s2  }
0x8f: {  	_ = 	snop  }
0x90: {  	(tm) =	ssettm $0x1  }
0x91: {  	s17 =	sld [smem:$0x3FFB];
	_ =	sdelay $0x3  }
0x92: {  	_ =	strace s17  }
0x93: {  	s2 =	sld [smem:$0x3FFC];
	_ =	sdelay $0x3  }
0x94: {  	_ =	strace s2  }
0x95: {  	s2 =	sld [smem:$0x3FFD];
	_ =	sdelay $0x3  }
0x96: {  	_ =	strace s2  }
0x97: {  	_ =	strace $0x8FFFFFFF  }
0x98: {  	s18 =	sld [smem:$0x3FDB];
	_ =	sdelay $0x1  }
0x99: {  	s19 =	simm.s32 $_scs_section_size  }
0x9a: {  	s4 =	simm.s32 $_size__tile_overlayer_lowered;
	s5 =	simm.s32 $_tile_overlayer_lowered  }
0x9b: {  	s22 =	simm.s32 $0x1BFF;
	s21 =	sshll.u32 s5, $0x1;
	s2 =	sadd.s32 s19, s18  }
0x9c: {  	s6 =	simm.s32 $0x0;
	s20 =	sshll.u32 s4, $0x1;
	s4 =	sadd.s32 s21, s2  }
0x9d: {  	[timem:s6], [sflag:s22] =	dma.local [hbm:s4], s20  }
0x9e: {  	_ =	swait.ge [sflag:s22], s20  }
0x9f: {  	s3 =	ssub.s32 $0x0, s20;
	[sflag:s22] =	ssyncset.done $0x0  }
0xa0: {  	[sflag:s22] =	ssyncadd.s32 s3;
	_ =	sdelay $0x1  }
0xa1: {  	s23 =	simm.s32 $0x1B8B  }
0xa2: {  	_ =	swait.ge [sflag:s23], $0x1  }
0xa3: {  	[sflag:s23] =	ssyncset.done $0x0  }
0xa4: {  	s25 =	simm.s32 $0x1B8E;
	s24 =	sld [smem:$0x3FFE];
	[sflag:s23] =	ssyncadd.s32 $0xFFFFFFFF  }
0xa5: {  	s26 =	simm.s32 $execute0_lowered;
	[smem:$0x3FD2] =	sst s25  }
0xa6: {  	s4 =	sshll.u32 s26, $0x1;
	_ =	strace $0x80000046;
	[dreg:$0x1] =	wrdreg $0xFFFFFFFF  }
0xa7: {  	s28 =	simm.s32 $_size_execute0_lowered;
	s2 =	sadd.s32 s2, s4;
	[dreg:$0x0] =	wrdreg $0x0  }
0xa8: {  	s4 =	sshll.u32 s28, $0x1;
	[dreg:$0x2] =	wrdreg s2  }
0xa9: {  	[dreg:$0x3] =	wrdreg s4  }
0xaa: {  	[dreg:$0x4] =	wrdreg $0xC0  }
0xab: {  	_ =	task [dreg:s6], $0x5FFFF  }
0xac: {  	[dreg:$0x1] =	wrdreg $0xFFFFFFFF  }
0xad: {  	[dreg:$0x0] =	wrdreg $0x60  }
0xae: {  	[dreg:$0x2] =	wrdreg s24  }
0xaf: {  	[dreg:$0x3] =	wrdreg $0x9  }
0xb0: {  	_ =	task.clear_ibuf [dreg:s6], $0x4FFFF;
	_ =	strace $0x90000046  }
0xb1: {  	s29 =	simm.s32 $0x9;
	_ =	strace $0x80000048  }
0xb2: {  	_ =	swait.ge [sflag:s29], $0x1  }
0xb3: {  	[sflag:s29] =	ssyncadd.s32 $0xFFFFFFFF  }
0xb4: {  	_ =	strace $0x90000048  }
0xb5: {  	_ =	sfence  }
0xb6: {  	s30 =	sld [smem:$0x0];
	_ =	sdelay $0x2  }
0xb7: {  	s31 =	sshll.u32 s1, $0xD;
	s1 =	sshrl.u32 s1, $0x2  }
0xb8: {  	s3 =	sand.u32 $0x4000, s31;
	s1 =	sadd.s32 s1, s30  }
0xb9: {  	s0 =	sor.u32 s3, s0;
	s1 =	sshll.u32 s1, $0x11  }
0xba: {  	s0 =	sor.u32 s1, s0  }
0xbb: {  	s0 =	sadd.s32 $0x8F2B, s0  }
0xbc: {  	[sflag:s0] =	ssyncadd.remote.s32 $0x1  }
0xbd: {  	_ =	sfence.sel $0xFFFF  }
0xbe: {  	[dreg:$0x0] =	wrdreg $0xFFFFFFFF;
	(pc) =	sbr.abs _section_cstart, $3  }
0xbf: {  	[dreg:$0x1] =	wrdreg $0xFFFFFFFF  }
0xc0: {  	_ =	task.clear_ibuf [dreg:s6], $0x2FFFF;
	_ =	strace $0x9FFFFFFF  }
0xc1: {  	(tm) =	ssettm $0x7FFFFFFF  }
tec
execute0_lowered:
.L_overlay_start_1:
0x0: {  	(tag) =	ssettag $0x1  }
0x1: {  	s0 =	srdreg.scid  }
0x2: {  	s5 =	rddreg [dreg:$0x0];
	s3 =	sand.u32 $0x1, s0  }
0x3: {  	s2 =	simm.s32 $0x0;
	s0 =	stileid.u32;
	s1 =	sshll.u32 s3, $0x4  }
0x4: {  	s8 =	simm.s32 $0x80;
	s9 =	simm.s32 $0x400;
	s4 =	sor.u32 s0, s1  }
0x5: {  	s10 =	simm.s32 $0x0;
	[smem:$0x7FF] =	sst s2;
	s1 =	sshrl.u32 s4, $0x3  }
0x6: {  	s7 =	sshll.u32 s0, $0x7;
	s3 =	ssub.s32 $0x2, s3;
	s6 =	smul.u32 $0x14000, s1  }
0x7: {  	s7 =	sand.u32 $0x380, s7;
	s31 =	sshrl.u32 s3, $0x1;
	s4 =	smul.u32 $0x500, s4  }
0x8: {  	s1 =	rddreg [dreg:$0x1];
	_ =	strace $0x80000047;
	s6 =	sor.u32 s7, s6  }
0x9: {  	s4 =	sadd.s32 s4, s5;
	s7 =	simm.s32 $0x2800;
	s6 =	sshrl.u32 s6, $0x3  }
0xa: {  	s5 =	sadd.s32 s6, s5;
	s6 =	ssub.s32 s3, s31;
	s3 =	sadd.s32 $0x2800, s4  }
0xb: {  	v0 =	vimm.f32 $0.0e+00;
	v1 =	vimm.f32 $1.000000000e+00;
	s4 =	sadd.s32 $0xC800, s5;
	s5 =	smax.u32 s6, $0x1;
	s6 =	simm.s32 $0x1  }
.LBB2_1:
0xc: {  	s11 =	simm.s32 $0x40;
	s12 =	simm.s32 $0x0  }
.LBB2_2:
0xd: {  	p0 =	sne.s32 s11, $0x9FC0;
	[tilespmem:s12+$0x2800] =	vst v0;
	s12 =	smov.u32 s11;
	s11 =	sadd.s32 $0x40, s11  }
.Ltmp0:
0xe: {  	(pc) =	sbr.rel @p0 .LBB2_2-.Ltmp0, $2  }
0xf: {  	_ =	sdelay $0x2  }
0x10: {  	s12 =	sshra.s32 s12, $0x2  }
0x11: {  	[tilespmem:s12+$0x2800] =	vst v0  }
0x12: {  	[tilespmem:s2], [sflag:$0x1] =	stream.linear.gather [hbm4b:s3+s2], $0x2780, $0x38;
	[tilespmem:$0x5000] =	vst v63  }
0x13: {  	_ =	swait.ge [sflag:s6], $0x2780  }
0x14: {  	[sflag:s6] =	ssyncset.done $0x0  }
0x15: {  	s11 =	simm.s32 $0x1C0;
	[sflag:s6] =	ssyncadd.s32 $0xFFFFD880  }
.LBB2_4:
0x16: {  	s12 =	sshra.s32 s11, $0x2  }
0x17: {  	v2 =	vld [tilespmem:s12+$0xFFFFFF90];
	_ =	sdelay $0x7  }
0x18: {  	[tilespmem:v2+s7+$0x0] =	vst.idx.add.f32.msk $0xffff, v1  }
0x19: {  	v2 =	vld [tilespmem:s12+$0xFFFFFFA0];
	_ =	sdelay $0x7  }
0x1a: {  	[tilespmem:v2+s7+$0x0] =	vst.idx.add.f32.msk $0xffff, v1  }
0x1b: {  	v2 =	vld [tilespmem:s12+$0xFFFFFFB0];
	_ =	sdelay $0x7  }
0x1c: {  	[tilespmem:v2+s7+$0x0] =	vst.idx.add.f32.msk $0xffff, v1  }
0x1d: {  	v2 =	vld [tilespmem:s12+$0xFFFFFFC0];
	_ =	sdelay $0x7  }
0x1e: {  	[tilespmem:v2+s7+$0x0] =	vst.idx.add.f32.msk $0xffff, v1  }
0x1f: {  	v2 =	vld [tilespmem:s12+$0xFFFFFFD0];
	_ =	sdelay $0x7  }
0x20: {  	[tilespmem:v2+s7+$0x0] =	vst.idx.add.f32.msk $0xffff, v1  }
0x21: {  	v2 =	vld [tilespmem:s12+$0xFFFFFFE0];
	_ =	sdelay $0x7  }
0x22: {  	[tilespmem:v2+s7+$0x0] =	vst.idx.add.f32.msk $0xffff, v1  }
0x23: {  	v2 =	vld [tilespmem:s12+$0xFFFFFFF0];
	_ =	sdelay $0x7  }
0x24: {  	[tilespmem:v2+s7+$0x0] =	vst.idx.add.f32.msk $0xffff, v1  }
0x25: {  	v2 =	vld [tilespmem:s12+$0x0];
	_ =	sdelay $0x2  }
0x26: {  	p0 =	sne.s32 s11, $0x9DC0  }
.Ltmp1:
0x27: {  	_ = 	snop;
	(pc) =	sbr.rel @p0 .LBB2_4-.Ltmp1, $2  }
0x28: {  	_ =	sdelay $0x2  }
0x29: {  	s11 =	sadd.s32 $0x200, s11;
	[tilespmem:v2+s7+$0x0] =	vst.idx.add.f32.msk $0xffff, v1  }
0x2a: {  	s10 =	sadd.s32 $0x1, s10  }
0x2b: {  	p0 =	sne.s32 s10, s5  }
.Ltmp2:
0x2c: {  	_ = 	snop;
	(pc) =	sbr.rel @p0 .LBB2_1-.Ltmp2, $4  }
0x2d: {  	[hbm4b:s4+s8] =	stream.strided.scatter [tilespmem:s7], [sflag:$0x1], $0x2800, s9, s8, $0x38;
	[tilespmem:$0x5000] =	vst v63  }
0x2e: {  	_ =	swait.ge [sflag:s6], $0x2800  }
0x2f: {  	[sflag:s6] =	ssyncset.done $0x0  }
0x30: {  	[sflag:s6] =	ssyncadd.s32 $0xFFFFD800  }
0x31: {  	_ =	sfence.sel $0x180000  }
0x32: {  	[bflag:$0x0] =	sbarrier.arrive $0xFFFF  }
0x33: {  	p0 =	sne.s32 s0, $0x0;
	_ =	strace $0x90000047  }
0x34: {  	s0 =	sadd.s32 @!p0 $0x100000, s1;
	[bflag:$0x2] =	sbarrier.arrive $0xFFFF  }
0x35: {  	[sflag:s0] =	ssyncadd.tile.s32 @!p0 $0x1;
	_ =	shalt  }
.Lfunc_end2:
_tile_overlayer_lowered:
.L_overlay_start_2:
0x36: {  	(tag) =	ssettag $0x2  }
0x37: {  	s0 =	rddreg [dreg:$0x0];
	s2 =	stileid.u32  }
0x38: {  	s1 =	rddreg [dreg:$0x1];
	p0 =	sne.s32 s2, $0x0  }
0x39: {  	s3 =	rddreg [dreg:$0x2];
	[bflag:$0x3] =	sbarrier.arrive $0xFFFF;
	s2 =	simm.s32 @!p0 $0x1C01  }
0x3a: {  	[timem:s3], [sflag:s2] =	dma.local @!p0 [hbm:s0], s1  }
0x3b: {  	s0 =	simm.s32 @!p0 $0x1  }
0x3c: {  	_ =	swait.ge @!p0 [sflag:s0], s1  }
0x3d: {  	s1 =	ssub.s32 @!p0 $0x0, s1;
	[sflag:s0] =	ssyncset.done @!p0 $0x0  }
0x3e: {  	[sflag:s0] =	ssyncadd.s32 @!p0 s1  }
0x3f: {  	[bflag:$0x3] =	sbarrier.arrive $0xFFFF  }
0x40: {  	_ =	shalt  }

</sc_bundles>
